<compile_context>
chip_gen: v7x
topology: tpu7x:2x2x1
jax: 0.10.2.dev20260603
libtpu: 0.0.44.dev20260713+nightly
codegen_flags: <defaults>
</compile_context>

<pallas_src>
import dataclasses
import functools

import jax
import jax.numpy as jnp
from jax import lax
from jax.experimental import pallas as pl
from jax.experimental.pallas import tpu as pltpu
from jax.experimental.pallas import tpu_sc as plsc

BM = 256
NJ = 4
GW = 32
CW = 16


def _routing(topk_ids, N, K, E, NB):
    NK = N * K
    ids = topk_ids.reshape(NK).astype(jnp.int32)
    onehot = (ids[:, None] == jnp.arange(E, dtype=jnp.int32)[None, :]).astype(
        jnp.int32)
    SB = 128
    NSB = NK // SB
    ohb = onehot.astype(jnp.bfloat16).reshape(NSB, SB, E)
    tri = jnp.tril(jnp.ones((SB, SB), jnp.bfloat16))
    inner = jnp.einsum("ij,bjk->bik", tri, ohb,
                       preferred_element_type=jnp.float32)
    sums = inner[:, -1, :]
    tri_x = jnp.tril(jnp.ones((NSB, NSB), jnp.bfloat16), k=-1)
    off = jnp.einsum("ij,jk->ik", tri_x, sums.astype(jnp.bfloat16),
                     preferred_element_type=jnp.float32)
    csum = (inner + off[:, None, :]).reshape(NK, E).astype(jnp.int32)
    counts = csum[-1]
    rank = jnp.sum(onehot * csum, axis=1) - 1
    blocks_e = (counts + BM - 1) // BM
    bends = jnp.dot(jnp.tril(jnp.ones((E, E), jnp.float32)),
                    blocks_e.astype(jnp.float32)).astype(jnp.int32)
    bstart = bends - blocks_e
    max_used_e = jnp.max(jnp.where(counts > 0, jnp.arange(E), 0))
    block_expert = jnp.minimum(
        jnp.sum((jnp.arange(NB, dtype=jnp.int32)[:, None]
                 >= bends[None, :]).astype(jnp.int32), axis=1),
        max_used_e).astype(jnp.int32)
    pp = (jnp.sum(onehot * bstart[None, :], axis=1) * BM
          + rank).astype(jnp.int32)
    eids_plus = jnp.concatenate([block_expert, bends[-1:]])
    return eids_plus, pp


def _sc_dispatch(hidden_states, pp, N, K, P, D):
    info = plsc.get_sparse_core_info()
    NC, NS = info.num_cores, info.num_subcores
    NW = NC * NS
    NK = N * K
    per_w = NK // NW
    tok = (jnp.arange(NK, dtype=jnp.int32) // K).astype(jnp.int32)
    mesh = plsc.VectorSubcoreMesh(core_axis_name="c", subcore_axis_name="s")

    NCH = per_w // GW

    @functools.partial(
        pl.kernel, mesh=mesh,
        out_type=jax.ShapeDtypeStruct((P, D), jnp.float32),
        scratch_types=[pltpu.VMEM((per_w,), jnp.int32),
                       pltpu.VMEM((GW,), jnp.int32),
                       pltpu.VMEM((GW,), jnp.int32),
                       pltpu.VMEM((GW, D), jnp.float32),
                       pltpu.VMEM((GW, D), jnp.float32),
                       pltpu.SemaphoreType.DMA])
    def dispatch_kernel(hs_hbm, tok_hbm, pp_hbm, gx_hbm,
                        tok_all, pp_v0, pp_v1, rows0, rows1, sem):
        wid = lax.axis_index("s") * NC + lax.axis_index("c")
        base = wid * per_w
        pltpu.sync_copy(tok_hbm.at[pl.ds(base, per_w)], tok_all)
        rows = (rows0, rows1)
        ppv = (pp_v0, pp_v1)
        cps = [None] * NCH
        cps[0] = pltpu.async_copy(
            hs_hbm.at[tok_all.at[pl.ds(0, GW)]], rows0, sem)
        for c in range(NCH):
            pltpu.sync_copy(pp_hbm.at[pl.ds(base + c * GW, GW)], ppv[c % 2])
            cps[c].wait()
            if c + 1 < NCH:
                cps[c + 1] = pltpu.async_copy(
                    hs_hbm.at[tok_all.at[pl.ds((c + 1) * GW, GW)]],
                    rows[(c + 1) % 2], sem)
            pltpu.sync_copy(rows[c % 2], gx_hbm.at[ppv[c % 2]])

    return dispatch_kernel(hidden_states, tok, pp)


def _tc_grouped_mlp(block_expert, gx, w_up, w_down, N, D, H, E, NB, P,
                    interpret=False):
    HT = H // NJ

    def body(eids_ref, wg_ref, wl_ref, wd_ref, gx_ref, o_ref,
             gx_s, acc_s, wg_s, wl_s, wd_s):
        j = pl.program_id(0)
        b = pl.program_id(1)
        rows = pl.ds(b * BM, BM)

        @pl.when(b < eids_ref[NB])
        def _():
            new_tile = jnp.logical_or(
                b == 0, eids_ref[b] != eids_ref[jnp.maximum(b - 1, 0)])

            @pl.when(new_tile)
            def _():
                wg_s[...] = wg_ref[0].astype(jnp.bfloat16)
                wl_s[...] = wl_ref[0].astype(jnp.bfloat16)
                wd_s[...] = wd_ref[0].astype(jnp.bfloat16)

            def compute(xb):
                hg = lax.dot_general(xb, wg_s[...], (((1,), (1,)), ((), ())),
                                     preferred_element_type=jnp.float32)
                hl = lax.dot_general(xb, wl_s[...], (((1,), (1,)), ((), ())),
                                     preferred_element_type=jnp.float32)
                g = (hg * jax.nn.sigmoid(hg)) * hl
                return lax.dot_general(g.astype(jnp.bfloat16), wd_s[...],
                                       (((1,), (1,)), ((), ())),
                                       preferred_element_type=jnp.float32)

            @pl.when(j == 0)
            def _():
                xb = gx_ref[...].astype(jnp.bfloat16)
                gx_s[rows, :] = xb
                acc_s[rows, :] = compute(xb).astype(jnp.bfloat16)

            @pl.when(jnp.logical_and(j > 0, j < NJ - 1))
            def _():
                part = compute(gx_s[rows, :])
                acc_s[rows, :] = (acc_s[rows, :].astype(jnp.float32)
                                  + part).astype(jnp.bfloat16)

            @pl.when(j == NJ - 1)
            def _():
                part = compute(gx_s[rows, :])
                o_ref[...] = acc_s[rows, :].astype(jnp.float32) + part

    grid_spec = pltpu.PrefetchScalarGridSpec(
        num_scalar_prefetch=1,
        grid=(NJ, NB),
        in_specs=[
            pl.BlockSpec((1, HT, D), lambda j, b, eids: (eids[b], j, 0)),
            pl.BlockSpec((1, HT, D),
                         lambda j, b, eids: (eids[b], NJ + j, 0)),
            pl.BlockSpec((1, D, HT), lambda j, b, eids: (eids[b], 0, j)),
            pl.BlockSpec((BM, D),
                         lambda j, b, eids: (jnp.where(j == 0, b, 0), 0)),
        ],
        out_specs=pl.BlockSpec(
            (BM, D), lambda j, b, eids: (jnp.where(j == NJ - 1, b, 0), 0)),
        scratch_shapes=[pltpu.VMEM((P, D), jnp.bfloat16),
                        pltpu.VMEM((P, D), jnp.bfloat16),
                        pltpu.VMEM((HT, D), jnp.bfloat16),
                        pltpu.VMEM((HT, D), jnp.bfloat16),
                        pltpu.VMEM((D, HT), jnp.bfloat16)],
    )
    return pl.pallas_call(
        body,
        grid_spec=grid_spec,
        out_shape=jax.ShapeDtypeStruct((P, D), jnp.float32),
        compiler_params=pltpu.CompilerParams(
            dimension_semantics=("arbitrary", "arbitrary"),
            vmem_limit_bytes=100 * 1024 * 1024,
        ),
        interpret=interpret,
    )(block_expert, w_up, w_up, w_down, gx)


def _sc_combine(y, topk_weights, ppN, N, K, D):
    info = plsc.get_sparse_core_info()
    NC, NS = info.num_cores, info.num_subcores
    NW = NC * NS
    per_w = N // NW
    mesh = plsc.VectorSubcoreMesh(core_axis_name="c", subcore_axis_name="s")
    idx0 = ppN[:, 0]
    idx1 = ppN[:, 1]
    twf = topk_weights.reshape(N * K).astype(jnp.float32)

    cp = pltpu.CompilerParams()
    if "needs_layout_passes" in pltpu.CompilerParams.__dataclass_fields__:
        cp = dataclasses.replace(cp, needs_layout_passes=False)

    NCH = per_w // CW

    @functools.partial(
        pl.kernel, mesh=mesh,
        out_type=jax.ShapeDtypeStruct((N, D), jnp.float32),
        compiler_params=cp,
        scratch_types=[pltpu.VMEM((per_w,), jnp.int32),
                       pltpu.VMEM((per_w,), jnp.int32),
                       pltpu.VMEM((per_w * 2,), jnp.float32),
                       pltpu.VMEM((CW, D), jnp.float32),
                       pltpu.VMEM((CW, D), jnp.float32),
                       pltpu.VMEM((CW, D), jnp.float32),
                       pltpu.VMEM((CW, D), jnp.float32),
                       pltpu.SemaphoreType.DMA])
    def combine_kernel(y_hbm, tw_hbm, i0_hbm, i1_hbm, out_hbm,
                       i0_all, i1_all, tw_all, acc0, acc1, rw0, rw1, sem):
        wid = lax.axis_index("s") * NC + lax.axis_index("c")
        base = wid * per_w
        pltpu.sync_copy(i0_hbm.at[pl.ds(base, per_w)], i0_all)
        pltpu.sync_copy(i1_hbm.at[pl.ds(base, per_w)], i1_all)
        pltpu.sync_copy(tw_hbm.at[pl.ds(2 * base, 2 * per_w)], tw_all)
        acc = (acc0, acc1)
        rw = (rw0, rw1)

        def issue(c, buf):
            c0 = pltpu.async_copy(
                y_hbm.at[i0_all.at[pl.ds(c * CW, CW)]], acc[buf], sem)
            c1 = pltpu.async_copy(
                y_hbm.at[i1_all.at[pl.ds(c * CW, CW)]], rw[buf], sem)
            return c0, c1

        cps = [None] * NCH
        cps[0] = issue(0, 0)
        for c in range(NCH):
            cps[c][0].wait()
            cps[c][1].wait()
            if c + 1 < NCH:
                cps[c + 1] = issue(c + 1, (c + 1) % 2)
            av, rv = acc[c % 2], rw[c % 2]

            @pl.loop(0, CW)
            def _(t):
                tw0 = plsc.load_gather(
                    tw_all, [jnp.full((16,), 2 * (c * CW + t), jnp.int32)])
                tw1 = plsc.load_gather(
                    tw_all, [jnp.full((16,), 2 * (c * CW + t) + 1,
                                      jnp.int32)])

                @pl.loop(0, D, step=64)
                def _(d):
                    for u in range(4):
                        sl = pl.ds(d + 16 * u, 16)
                        av[t, sl] = tw0 * av[t, sl] + tw1 * rv[t, sl]

            pltpu.sync_copy(av, out_hbm.at[pl.ds(base + c * CW, CW)])

    return combine_kernel(y, twf, idx0, idx1)


def kernel(hidden_states, topk_weights, topk_ids, w_up, w_down):
    N, D = hidden_states.shape
    K = topk_ids.shape[1]
    E = w_up.shape[0]
    H = w_down.shape[2]
    NB = (N * K) // BM + E
    P = NB * BM

    block_expert, pp = _routing(topk_ids, N, K, E, NB)
    gx = _sc_dispatch(hidden_states, pp, N, K, P, D)
    y = _tc_grouped_mlp(block_expert, gx, w_up, w_down, N, D, H, E, NB, P)
    return _sc_combine(y, topk_weights, pp.reshape(N, K), N, K, D)

# --- scband reference (transcript-rebuilt; emitter-appended) ---
"""Pipeline reference for scband-fused-mo-emodule-12094627905713 (READ-ONLY COPY).

The authoritative reference and input builder live on the scoring server;
editing this copy changes nothing except your own understanding.
"""

import jax, jax.numpy as jnp
import numpy as np

N, D, H, E, K = 2048, 1024, 2048, 8, 2


def setup_inputs(seed: int = 0) -> dict:
    key = jax.random.key(seed)
    k1, k2, k3, k4, k5 = jax.random.split(key, 5)
    hidden_states = jax.random.normal(k1, (N, D), dtype=jnp.float32)
    topk_weights = jax.random.uniform(k2, (N, K), dtype=jnp.float32)
    topk_weights = topk_weights / jnp.sum(topk_weights, axis=-1, keepdims=True)
    topk_ids = jax.random.randint(k3, (N, K), 0, E)
    # Expert weights: up projection is gated (SwiGLU style): [E, 2H, D]; down: [E, D, H]
    w_up = jax.random.normal(k4, (E, 2 * H, D), dtype=jnp.float32) * 0.02
    w_down = jax.random.normal(k5, (E, D, H), dtype=jnp.float32) * 0.02
    return {
        "hidden_states": hidden_states,
        "topk_weights": topk_weights,
        "topk_ids": topk_ids,
        "w_up": w_up,
        "w_down": w_down,
    }


def reference(hidden_states, topk_weights, topk_ids, w_up, w_down):
    # Fused MoE: sort token-expert assignments by expert (moe_align_block_size analogue),
    # run grouped expert GEMMs with SiLU-gated activation, then weighted scatter-add combine.
    flat_ids = topk_ids.reshape(-1)  # [N*K]
    order = jnp.argsort(flat_ids, stable=True)
    sorted_ids = jnp.take(flat_ids, order)
    token_idx = (order // K).astype(jnp.int32)  # source token of each sorted assignment
    order_j = order.astype(jnp.int32)
    token_idx_j = token_idx

    gx = jnp.take(hidden_states, token_idx_j, axis=0)  # gather/dispatch [N*K, D]
    y = jnp.zeros((N * K, D), dtype=hidden_states.dtype)
    for e in range(E):
        h = gx @ w_up[e].T                # [N*K, 2H]
        g = jax.nn.silu(h[:, :H]) * h[:, H:]  # gated activation
        ye = g @ w_down[e].T              # [N*K, D]
        y = jnp.where((sorted_ids == e)[:, None], ye, y)

    tw = jnp.take(topk_weights.reshape(-1), order_j)  # router weights in sorted order
    y = y * tw[:, None]
    out = jnp.zeros((N, D), dtype=hidden_states.dtype).at[token_idx_j].add(y)
    return out

if __name__ == "__main__":
    import jax
    _d = setup_inputs()
    print(jax.jit(kernel)(*tuple(_d.values())))

</pallas_src>

<mosaic_0001>
#map = affine_map<(d0, d1) -> (0, 0)>
#map1 = affine_map<(d0, d1) -> (0)>
module attributes {stable_mosaic.version = 14 : i64} {
  func.func @combine_kernel(%arg0: i32, %arg1: i32, %arg2: memref<6144x1024xf32, #tpu.memory_space<hbm>>, %arg3: memref<4096xf32, #tpu.memory_space<hbm>>, %arg4: memref<2048xi32, #tpu.memory_space<hbm>>, %arg5: memref<2048xi32, #tpu.memory_space<hbm>>, %arg6: memref<2048x1024xf32, #tpu.memory_space<hbm>>, %arg7: memref<64xi32, #tpu.memory_space<vmem>>, %arg8: memref<64xi32, #tpu.memory_space<vmem>>, %arg9: memref<128xf32, #tpu.memory_space<vmem>>, %arg10: memref<16x1024xf32, #tpu.memory_space<vmem>>, %arg11: memref<16x1024xf32, #tpu.memory_space<vmem>>, %arg12: memref<16x1024xf32, #tpu.memory_space<vmem>>, %arg13: memref<16x1024xf32, #tpu.memory_space<vmem>>, %arg14: memref<!tpu.dma_semaphore, #tpu.memory_space<semaphore_mem>>) attributes {dimension_semantics = [#tpu.dimension_semantics<core_parallel>, #tpu.dimension_semantics<subcore_parallel>], iteration_bounds = array<i64: 2, 16>, scalar_prefetch = 0 : i64, scratch_operands = 8 : i64, tpu.core_type = #tpu.core_type<sc_vector_subcore>, window_params = [{transform_indices = #map}, {transform_indices = #map1}, {transform_indices = #map1}, {transform_indices = #map1}, {transform_indices = #map}]} {
    %mul3A = arith.constant 2 : i32
    %mul3A_0 = arith.muli %arg1, %mul3A : i32
    %add3A = arith.addi %mul3A_0, %arg0 : i32
    %mul3A_1 = arith.constant 64 : i32
    %mul3A_2 = arith.muli %add3A, %mul3A_1 : i32
    "tpu.region"() ({
      %run_scoped3A = tpu.sem_alloc : memref<!tpu.dma_semaphore, #tpu.memory_space<semaphore_mem>>
      %dma_start3A_110 = tpu.memref_slice %arg4[%mul3A_2] : memref<2048xi32, #tpu.memory_space<hbm>> -> memref<64xi32, #tpu.memory_space<hbm>>
      %dma_start3A_111 = tpu.memref_slice %arg4[%mul3A_2] : memref<2048xi32, #tpu.memory_space<hbm>> -> memref<64xi32, #tpu.memory_space<hbm>>
      tpu.enqueue_dma source(%dma_start3A_111 : memref<64xi32, #tpu.memory_space<hbm>>) target(%arg7 : memref<64xi32, #tpu.memory_space<vmem>>) target_semaphore(%run_scoped3A : memref<!tpu.dma_semaphore, #tpu.memory_space<semaphore_mem>>)
      %dma_wait3A_112 = tpu.memref_slice %arg4[%mul3A_2] : memref<2048xi32, #tpu.memory_space<hbm>> -> memref<64xi32, #tpu.memory_space<hbm>>
      %dma_wait3A_113 = tpu.memref_slice %arg4[%mul3A_2] : memref<2048xi32, #tpu.memory_space<hbm>> -> memref<64xi32, #tpu.memory_space<hbm>>
      tpu.wait_dma2 semaphore(%run_scoped3A : memref<!tpu.dma_semaphore, #tpu.memory_space<semaphore_mem>>) src(%dma_wait3A_113 : memref<64xi32, #tpu.memory_space<hbm>>) dst(%arg7 : memref<64xi32, #tpu.memory_space<vmem>>)
      tpu.yield
    }) : () -> ()
    "tpu.region"() ({
      %run_scoped3A = tpu.sem_alloc : memref<!tpu.dma_semaphore, #tpu.memory_space<semaphore_mem>>
      %dma_start3A_110 = tpu.memref_slice %arg5[%mul3A_2] : memref<2048xi32, #tpu.memory_space<hbm>> -> memref<64xi32, #tpu.memory_space<hbm>>
      %dma_start3A_111 = tpu.memref_slice %arg5[%mul3A_2] : memref<2048xi32, #tpu.memory_space<hbm>> -> memref<64xi32, #tpu.memory_space<hbm>>
      tpu.enqueue_dma source(%dma_start3A_111 : memref<64xi32, #tpu.memory_space<hbm>>) target(%arg8 : memref<64xi32, #tpu.memory_space<vmem>>) target_semaphore(%run_scoped3A : memref<!tpu.dma_semaphore, #tpu.memory_space<semaphore_mem>>)
      %dma_wait3A_112 = tpu.memref_slice %arg5[%mul3A_2] : memref<2048xi32, #tpu.memory_space<hbm>> -> memref<64xi32, #tpu.memory_space<hbm>>
      %dma_wait3A_113 = tpu.memref_slice %arg5[%mul3A_2] : memref<2048xi32, #tpu.memory_space<hbm>> -> memref<64xi32, #tpu.memory_space<hbm>>
      tpu.wait_dma2 semaphore(%run_scoped3A : memref<!tpu.dma_semaphore, #tpu.memory_space<semaphore_mem>>) src(%dma_wait3A_113 : memref<64xi32, #tpu.memory_space<hbm>>) dst(%arg8 : memref<64xi32, #tpu.memory_space<vmem>>)
      tpu.yield
    }) : () -> ()
    %mul3A_3 = arith.constant 2 : i32
    %mul3A_4 = arith.muli %mul3A_3, %mul3A_2 : i32
    "tpu.region"() ({
      %run_scoped3A = tpu.sem_alloc : memref<!tpu.dma_semaphore, #tpu.memory_space<semaphore_mem>>
      %dma_start3A_110 = tpu.memref_slice %arg3[%mul3A_4] : memref<4096xf32, #tpu.memory_space<hbm>> -> memref<128xf32, #tpu.memory_space<hbm>>
      %dma_start3A_111 = tpu.memref_slice %arg3[%mul3A_4] : memref<4096xf32, #tpu.memory_space<hbm>> -> memref<128xf32, #tpu.memory_space<hbm>>
      tpu.enqueue_dma source(%dma_start3A_111 : memref<128xf32, #tpu.memory_space<hbm>>) target(%arg9 : memref<128xf32, #tpu.memory_space<vmem>>) target_semaphore(%run_scoped3A : memref<!tpu.dma_semaphore, #tpu.memory_space<semaphore_mem>>)
      %dma_wait3A_112 = tpu.memref_slice %arg3[%mul3A_4] : memref<4096xf32, #tpu.memory_space<hbm>> -> memref<128xf32, #tpu.memory_space<hbm>>
      %dma_wait3A_113 = tpu.memref_slice %arg3[%mul3A_4] : memref<4096xf32, #tpu.memory_space<hbm>> -> memref<128xf32, #tpu.memory_space<hbm>>
      tpu.wait_dma2 semaphore(%run_scoped3A : memref<!tpu.dma_semaphore, #tpu.memory_space<semaphore_mem>>) src(%dma_wait3A_113 : memref<128xf32, #tpu.memory_space<hbm>>) dst(%arg9 : memref<128xf32, #tpu.memory_space<vmem>>)
      tpu.yield
    }) : () -> ()
    %dma_start3A = arith.constant 0 : i32
    %dma_start3A_5 = tpu.memref_slice %arg7[%dma_start3A] : memref<64xi32, #tpu.memory_space<vmem>> -> memref<16xi32, #tpu.memory_space<vmem>>
    %dma_start3A_6 = arith.constant 0 : i32
    %dma_start3A_7 = arith.constant 0 : i32
    %dma_start3A_8 = tpu.memref_slice %arg2[%dma_start3A_6, %dma_start3A_7] : memref<6144x1024xf32, #tpu.memory_space<hbm>> -> memref<6144x1024xf32, #tpu.memory_space<hbm>>
    tpu.enqueue_indirect_dma source(%dma_start3A_8 : memref<6144x1024xf32, #tpu.memory_space<hbm>>) target(%arg10 : memref<16x1024xf32, #tpu.memory_space<vmem>>) offsets(%dma_start3A_5 : memref<16xi32, #tpu.memory_space<vmem>>) semaphore(%arg14 : memref<!tpu.dma_semaphore, #tpu.memory_space<semaphore_mem>>)
    %dma_start3A_9 = arith.constant 0 : i32
    %dma_start3A_10 = tpu.memref_slice %arg8[%dma_start3A_9] : memref<64xi32, #tpu.memory_space<vmem>> -> memref<16xi32, #tpu.memory_space<vmem>>
    %dma_start3A_11 = arith.constant 0 : i32
    %dma_start3A_12 = arith.constant 0 : i32
    %dma_start3A_13 = tpu.memref_slice %arg2[%dma_start3A_11, %dma_start3A_12] : memref<6144x1024xf32, #tpu.memory_space<hbm>> -> memref<6144x1024xf32, #tpu.memory_space<hbm>>
    tpu.enqueue_indirect_dma source(%dma_start3A_13 : memref<6144x1024xf32, #tpu.memory_space<hbm>>) target(%arg12 : memref<16x1024xf32, #tpu.memory_space<vmem>>) offsets(%dma_start3A_10 : memref<16xi32, #tpu.memory_space<vmem>>) semaphore(%arg14 : memref<!tpu.dma_semaphore, #tpu.memory_space<semaphore_mem>>)
    %dma_wait3A = arith.constant 0 : i32
    %dma_wait3A_14 = tpu.memref_slice %arg7[%dma_wait3A] : memref<64xi32, #tpu.memory_space<vmem>> -> memref<16xi32, #tpu.memory_space<vmem>>
    %dma_wait3A_15 = arith.constant 0 : i32
    %dma_wait3A_16 = arith.constant 0 : i32
    %dma_wait3A_17 = tpu.memref_slice %arg2[%dma_wait3A_15, %dma_wait3A_16] : memref<6144x1024xf32, #tpu.memory_space<hbm>> -> memref<6144x1024xf32, #tpu.memory_space<hbm>>
    tpu.wait_indirect_dma semaphore(%arg14 : memref<!tpu.dma_semaphore, #tpu.memory_space<semaphore_mem>>) src(%dma_wait3A_17 : memref<6144x1024xf32, #tpu.memory_space<hbm>>) dst(%arg10 : memref<16x1024xf32, #tpu.memory_space<vmem>>)
    %dma_wait3A_18 = arith.constant 0 : i32
    %dma_wait3A_19 = tpu.memref_slice %arg8[%dma_wait3A_18] : memref<64xi32, #tpu.memory_space<vmem>> -> memref<16xi32, #tpu.memory_space<vmem>>
    %dma_wait3A_20 = arith.constant 0 : i32
    %dma_wait3A_21 = arith.constant 0 : i32
    %dma_wait3A_22 = tpu.memref_slice %arg2[%dma_wait3A_20, %dma_wait3A_21] : memref<6144x1024xf32, #tpu.memory_space<hbm>> -> memref<6144x1024xf32, #tpu.memory_space<hbm>>
    tpu.wait_indirect_dma semaphore(%arg14 : memref<!tpu.dma_semaphore, #tpu.memory_space<semaphore_mem>>) src(%dma_wait3A_22 : memref<6144x1024xf32, #tpu.memory_space<hbm>>) dst(%arg12 : memref<16x1024xf32, #tpu.memory_space<vmem>>)
    %dma_start3A_23 = arith.constant 16 : i32
    %dma_start3A_24 = tpu.memref_slice %arg7[%dma_start3A_23] : memref<64xi32, #tpu.memory_space<vmem>> -> memref<16xi32, #tpu.memory_space<vmem>>
    %dma_start3A_25 = arith.constant 0 : i32
    %dma_start3A_26 = arith.constant 0 : i32
    %dma_start3A_27 = tpu.memref_slice %arg2[%dma_start3A_25, %dma_start3A_26] : memref<6144x1024xf32, #tpu.memory_space<hbm>> -> memref<6144x1024xf32, #tpu.memory_space<hbm>>
    tpu.enqueue_indirect_dma source(%dma_start3A_27 : memref<6144x1024xf32, #tpu.memory_space<hbm>>) target(%arg11 : memref<16x1024xf32, #tpu.memory_space<vmem>>) offsets(%dma_start3A_24 : memref<16xi32, #tpu.memory_space<vmem>>) semaphore(%arg14 : memref<!tpu.dma_semaphore, #tpu.memory_space<semaphore_mem>>)
    %dma_start3A_28 = arith.constant 16 : i32
    %dma_start3A_29 = tpu.memref_slice %arg8[%dma_start3A_28] : memref<64xi32, #tpu.memory_space<vmem>> -> memref<16xi32, #tpu.memory_space<vmem>>
    %dma_start3A_30 = arith.constant 0 : i32
    %dma_start3A_31 = arith.constant 0 : i32
    %dma_start3A_32 = tpu.memref_slice %arg2[%dma_start3A_30, %dma_start3A_31] : memref<6144x1024xf32, #tpu.memory_space<hbm>> -> memref<6144x1024xf32, #tpu.memory_space<hbm>>
    tpu.enqueue_indirect_dma source(%dma_start3A_32 : memref<6144x1024xf32, #tpu.memory_space<hbm>>) target(%arg13 : memref<16x1024xf32, #tpu.memory_space<vmem>>) offsets(%dma_start3A_29 : memref<16xi32, #tpu.memory_space<vmem>>) semaphore(%arg14 : memref<!tpu.dma_semaphore, #tpu.memory_space<semaphore_mem>>)
    %scan3A = arith.constant 0 : i32
    %scan3A_33 = arith.constant 16 : i32
    %scan3A_34 = arith.addi %scan3A, %scan3A_33 : i32
    %scan3A_35 = arith.constant 1 : i32
    scf.for %scan3A_110 = %scan3A to %scan3A_34 step %scan3A_35  : i32 {
      %mul3A_111 = arith.constant 1 : i32
      %mul3A_112 = arith.muli %scan3A_110, %mul3A_111 : i32
      %add3A_113 = arith.constant 0 : i32
      %add3A_114 = arith.addi %add3A_113, %mul3A_112 : i32
      %add3A_115 = arith.constant 0 : i32
      %add3A_116 = arith.addi %add3A_115, %add3A_114 : i32
      %mul3A_117 = arith.constant 2 : i32
      %mul3A_118 = arith.muli %mul3A_117, %add3A_116 : i32
      %broadcast_in_dim3A = vector.broadcast %mul3A_118 : i32 to vector<16xi32>
      %gather3A = tpu.vector_load_idx %arg9[%broadcast_in_dim3A] : memref<128xf32, #tpu.memory_space<vmem>>[vector<16xi32>], vector<16xf32>,
      %add3A_119 = arith.constant 0 : i32
      %add3A_120 = arith.addi %add3A_119, %add3A_114 : i32
      %mul3A_121 = arith.constant 2 : i32
      %mul3A_122 = arith.muli %mul3A_121, %add3A_120 : i32
      %add3A_123 = arith.constant 1 : i32
      %add3A_124 = arith.addi %mul3A_122, %add3A_123 : i32
      %broadcast_in_dim3A_125 = vector.broadcast %add3A_124 : i32 to vector<16xi32>
      %gather3A_126 = tpu.vector_load_idx %arg9[%broadcast_in_dim3A_125] : memref<128xf32, #tpu.memory_space<vmem>>[vector<16xi32>], vector<16xf32>,
      %scan3A_127 = arith.constant 0 : i32
      %scan3A_128 = arith.constant 16 : i32
      %scan3A_129 = arith.addi %scan3A_127, %scan3A_128 : i32
      %scan3A_130 = arith.constant 1 : i32
      scf.for %scan3A_132 = %scan3A_127 to %scan3A_129 step %scan3A_130  : i32 {
        %mul3A_133 = arith.constant 64 : i32
        %mul3A_134 = arith.muli %scan3A_132, %mul3A_133 : i32
        %add3A_135 = arith.constant 0 : i32
        %add3A_136 = arith.addi %add3A_135, %mul3A_134 : i32
        %add3A_137 = arith.constant 0 : i32
        %add3A_138 = arith.addi %add3A_136, %add3A_137 : i32
        %get3A = arith.index_cast %add3A_114 : i32 to index
        %get3A_139 = arith.index_cast %add3A_138 : i32 to index
        %get3A_140 = tpu.vector_load %arg10[%get3A, %get3A_139] {strides = array<i32>} : memref<16x1024xf32, #tpu.memory_space<vmem>>, vector<16xf32>,
        %mul3A_141 = arith.mulf %gather3A, %get3A_140 : vector<16xf32>
        %get3A_142 = arith.index_cast %add3A_114 : i32 to index
        %get3A_143 = arith.index_cast %add3A_138 : i32 to index
        %get3A_144 = tpu.vector_load %arg12[%get3A_142, %get3A_143] {strides = array<i32>} : memref<16x1024xf32, #tpu.memory_space<vmem>>, vector<16xf32>,
        %mul3A_145 = arith.mulf %gather3A_126, %get3A_144 : vector<16xf32>
        %add3A_146 = arith.addf %mul3A_141, %mul3A_145 : vector<16xf32>
        %swap3A = arith.index_cast %add3A_114 : i32 to index
        %swap3A_147 = arith.index_cast %add3A_138 : i32 to index
        %swap3A_148 = tpu.vector_load %arg10[%swap3A, %swap3A_147] {strides = array<i32>} : memref<16x1024xf32, #tpu.memory_space<vmem>>, vector<16xf32>,
        tpu.vector_store %arg10[%swap3A, %swap3A_147], %add3A_146 {strides = array<i32>} : memref<16x1024xf32, #tpu.memory_space<vmem>>, vector<16xf32>,
        %add3A_149 = arith.constant 16 : i32
        %add3A_150 = arith.addi %add3A_136, %add3A_149 : i32
        %get3A_151 = arith.index_cast %add3A_114 : i32 to index
        %get3A_152 = arith.index_cast %add3A_150 : i32 to index
        %get3A_153 = tpu.vector_load %arg10[%get3A_151, %get3A_152] {strides = array<i32>} : memref<16x1024xf32, #tpu.memory_space<vmem>>, vector<16xf32>,
        %mul3A_154 = arith.mulf %gather3A, %get3A_153 : vector<16xf32>
        %get3A_155 = arith.index_cast %add3A_114 : i32 to index
        %get3A_156 = arith.index_cast %add3A_150 : i32 to index
        %get3A_157 = tpu.vector_load %arg12[%get3A_155, %get3A_156] {strides = array<i32>} : memref<16x1024xf32, #tpu.memory_space<vmem>>, vector<16xf32>,
        %mul3A_158 = arith.mulf %gather3A_126, %get3A_157 : vector<16xf32>
        %add3A_159 = arith.addf %mul3A_154, %mul3A_158 : vector<16xf32>
        %swap3A_160 = arith.index_cast %add3A_114 : i32 to index
        %swap3A_161 = arith.index_cast %add3A_150 : i32 to index
        %swap3A_162 = tpu.vector_load %arg10[%swap3A_160, %swap3A_161] {strides = array<i32>} : memref<16x1024xf32, #tpu.memory_space<vmem>>, vector<16xf32>,
        tpu.vector_store %arg10[%swap3A_160, %swap3A_161], %add3A_159 {strides = array<i32>} : memref<16x1024xf32, #tpu.memory_space<vmem>>, vector<16xf32>,
        %add3A_163 = arith.constant 32 : i32
        %add3A_164 = arith.addi %add3A_136, %add3A_163 : i32
        %get3A_165 = arith.index_cast %add3A_114 : i32 to index
        %get3A_166 = arith.index_cast %add3A_164 : i32 to index
        %get3A_167 = tpu.vector_load %arg10[%get3A_165, %get3A_166] {strides = array<i32>} : memref<16x1024xf32, #tpu.memory_space<vmem>>, vector<16xf32>,
        %mul3A_168 = arith.mulf %gather3A, %get3A_167 : vector<16xf32>
        %get3A_169 = arith.index_cast %add3A_114 : i32 to index
        %get3A_170 = arith.index_cast %add3A_164 : i32 to index
        %get3A_171 = tpu.vector_load %arg12[%get3A_169, %get3A_170] {strides = array<i32>} : memref<16x1024xf32, #tpu.memory_space<vmem>>, vector<16xf32>,
        %mul3A_172 = arith.mulf %gather3A_126, %get3A_171 : vector<16xf32>
        %add3A_173 = arith.addf %mul3A_168, %mul3A_172 : vector<16xf32>
        %swap3A_174 = arith.index_cast %add3A_114 : i32 to index
        %swap3A_175 = arith.index_cast %add3A_164 : i32 to index
        %swap3A_176 = tpu.vector_load %arg10[%swap3A_174, %swap3A_175] {strides = array<i32>} : memref<16x1024xf32, #tpu.memory_space<vmem>>, vector<16xf32>,
        tpu.vector_store %arg10[%swap3A_174, %swap3A_175], %add3A_173 {strides = array<i32>} : memref<16x1024xf32, #tpu.memory_space<vmem>>, vector<16xf32>,
        %add3A_177 = arith.constant 48 : i32
        %add3A_178 = arith.addi %add3A_136, %add3A_177 : i32
        %get3A_179 = arith.index_cast %add3A_114 : i32 to index
        %get3A_180 = arith.index_cast %add3A_178 : i32 to index
        %get3A_181 = tpu.vector_load %arg10[%get3A_179, %get3A_180] {strides = array<i32>} : memref<16x1024xf32, #tpu.memory_space<vmem>>, vector<16xf32>,
        %mul3A_182 = arith.mulf %gather3A, %get3A_181 : vector<16xf32>
        %get3A_183 = arith.index_cast %add3A_114 : i32 to index
        %get3A_184 = arith.index_cast %add3A_178 : i32 to index
        %get3A_185 = tpu.vector_load %arg12[%get3A_183, %get3A_184] {strides = array<i32>} : memref<16x1024xf32, #tpu.memory_space<vmem>>, vector<16xf32>,
        %mul3A_186 = arith.mulf %gather3A_126, %get3A_185 : vector<16xf32>
        %add3A_187 = arith.addf %mul3A_182, %mul3A_186 : vector<16xf32>
        %swap3A_188 = arith.index_cast %add3A_114 : i32 to index
        %swap3A_189 = arith.index_cast %add3A_178 : i32 to index
        %swap3A_190 = tpu.vector_load %arg10[%swap3A_188, %swap3A_189] {strides = array<i32>} : memref<16x1024xf32, #tpu.memory_space<vmem>>, vector<16xf32>,
        tpu.vector_store %arg10[%swap3A_188, %swap3A_189], %add3A_187 {strides = array<i32>} : memref<16x1024xf32, #tpu.memory_space<vmem>>, vector<16xf32>,
      }
      %scan3A_131 = arith.constant 16 : i32
    }
    %scan3A_36 = arith.constant 16 : i32
    %add3A_37 = arith.constant 0 : i32
    %add3A_38 = arith.addi %mul3A_2, %add3A_37 : i32
    "tpu.region"() ({
      %run_scoped3A = tpu.sem_alloc : memref<!tpu.dma_semaphore, #tpu.memory_space<semaphore_mem>>
      %dma_start3A_110 = arith.constant 0 : i32
      %dma_start3A_111 = tpu.memref_slice %arg6[%add3A_38, %dma_start3A_110] : memref<2048x1024xf32, #tpu.memory_space<hbm>> -> memref<16x1024xf32, #tpu.memory_space<hbm>>
      %dma_start3A_112 = arith.constant 0 : i32
      %dma_start3A_113 = tpu.memref_slice %arg6[%add3A_38, %dma_start3A_112] : memref<2048x1024xf32, #tpu.memory_space<hbm>> -> memref<16x1024xf32, #tpu.memory_space<hbm>>
      tpu.enqueue_dma source(%arg10 : memref<16x1024xf32, #tpu.memory_space<vmem>>) target(%dma_start3A_113 : memref<16x1024xf32, #tpu.memory_space<hbm>>) target_semaphore(%run_scoped3A : memref<!tpu.dma_semaphore, #tpu.memory_space<semaphore_mem>>)
      %dma_wait3A_114 = arith.constant 0 : i32
      %dma_wait3A_115 = tpu.memref_slice %arg6[%add3A_38, %dma_wait3A_114] : memref<2048x1024xf32, #tpu.memory_space<hbm>> -> memref<16x1024xf32, #tpu.memory_space<hbm>>
      %dma_wait3A_116 = arith.constant 0 : i32
      %dma_wait3A_117 = tpu.memref_slice %arg6[%add3A_38, %dma_wait3A_116] : memref<2048x1024xf32, #tpu.memory_space<hbm>> -> memref<16x1024xf32, #tpu.memory_space<hbm>>
      tpu.wait_dma2 semaphore(%run_scoped3A : memref<!tpu.dma_semaphore, #tpu.memory_space<semaphore_mem>>) src(%arg10 : memref<16x1024xf32, #tpu.memory_space<vmem>>) dst(%dma_wait3A_117 : memref<16x1024xf32, #tpu.memory_space<hbm>>)
      tpu.yield
    }) : () -> ()
    %dma_wait3A_39 = arith.constant 16 : i32
    %dma_wait3A_40 = tpu.memref_slice %arg7[%dma_wait3A_39] : memref<64xi32, #tpu.memory_space<vmem>> -> memref<16xi32, #tpu.memory_space<vmem>>
    %dma_wait3A_41 = arith.constant 0 : i32
    %dma_wait3A_42 = arith.constant 0 : i32
    %dma_wait3A_43 = tpu.memref_slice %arg2[%dma_wait3A_41, %dma_wait3A_42] : memref<6144x1024xf32, #tpu.memory_space<hbm>> -> memref<6144x1024xf32, #tpu.memory_space<hbm>>
    tpu.wait_indirect_dma semaphore(%arg14 : memref<!tpu.dma_semaphore, #tpu.memory_space<semaphore_mem>>) src(%dma_wait3A_43 : memref<6144x1024xf32, #tpu.memory_space<hbm>>) dst(%arg11 : memref<16x1024xf32, #tpu.memory_space<vmem>>)
    %dma_wait3A_44 = arith.constant 16 : i32
    %dma_wait3A_45 = tpu.memref_slice %arg8[%dma_wait3A_44] : memref<64xi32, #tpu.memory_space<vmem>> -> memref<16xi32, #tpu.memory_space<vmem>>
    %dma_wait3A_46 = arith.constant 0 : i32
    %dma_wait3A_47 = arith.constant 0 : i32
    %dma_wait3A_48 = tpu.memref_slice %arg2[%dma_wait3A_46, %dma_wait3A_47] : memref<6144x1024xf32, #tpu.memory_space<hbm>> -> memref<6144x1024xf32, #tpu.memory_space<hbm>>
    tpu.wait_indirect_dma semaphore(%arg14 : memref<!tpu.dma_semaphore, #tpu.memory_space<semaphore_mem>>) src(%dma_wait3A_48 : memref<6144x1024xf32, #tpu.memory_space<hbm>>) dst(%arg13 : memref<16x1024xf32, #tpu.memory_space<vmem>>)
    %dma_start3A_49 = arith.constant 32 : i32
    %dma_start3A_50 = tpu.memref_slice %arg7[%dma_start3A_49] : memref<64xi32, #tpu.memory_space<vmem>> -> memref<16xi32, #tpu.memory_space<vmem>>
    %dma_start3A_51 = arith.constant 0 : i32
    %dma_start3A_52 = arith.constant 0 : i32
    %dma_start3A_53 = tpu.memref_slice %arg2[%dma_start3A_51, %dma_start3A_52] : memref<6144x1024xf32, #tpu.memory_space<hbm>> -> memref<6144x1024xf32, #tpu.memory_space<hbm>>
    tpu.enqueue_indirect_dma source(%dma_start3A_53 : memref<6144x1024xf32, #tpu.memory_space<hbm>>) target(%arg10 : memref<16x1024xf32, #tpu.memory_space<vmem>>) offsets(%dma_start3A_50 : memref<16xi32, #tpu.memory_space<vmem>>) semaphore(%arg14 : memref<!tpu.dma_semaphore, #tpu.memory_space<semaphore_mem>>)
    %dma_start3A_54 = arith.constant 32 : i32
    %dma_start3A_55 = tpu.memref_slice %arg8[%dma_start3A_54] : memref<64xi32, #tpu.memory_space<vmem>> -> memref<16xi32, #tpu.memory_space<vmem>>
    %dma_start3A_56 = arith.constant 0 : i32
    %dma_start3A_57 = arith.constant 0 : i32
    %dma_start3A_58 = tpu.memref_slice %arg2[%dma_start3A_56, %dma_start3A_57] : memref<6144x1024xf32, #tpu.memory_space<hbm>> -> memref<6144x1024xf32, #tpu.memory_space<hbm>>
    tpu.enqueue_indirect_dma source(%dma_start3A_58 : memref<6144x1024xf32, #tpu.memory_space<hbm>>) target(%arg12 : memref<16x1024xf32, #tpu.memory_space<vmem>>) offsets(%dma_start3A_55 : memref<16xi32, #tpu.memory_space<vmem>>) semaphore(%arg14 : memref<!tpu.dma_semaphore, #tpu.memory_space<semaphore_mem>>)
    %scan3A_59 = arith.constant 0 : i32
    %scan3A_60 = arith.constant 16 : i32
    %scan3A_61 = arith.addi %scan3A_59, %scan3A_60 : i32
    %scan3A_62 = arith.constant 1 : i32
    scf.for %scan3A_110 = %scan3A_59 to %scan3A_61 step %scan3A_62  : i32 {
      %mul3A_111 = arith.constant 1 : i32
      %mul3A_112 = arith.muli %scan3A_110, %mul3A_111 : i32
      %add3A_113 = arith.constant 0 : i32
      %add3A_114 = arith.addi %add3A_113, %mul3A_112 : i32
      %add3A_115 = arith.constant 16 : i32
      %add3A_116 = arith.addi %add3A_115, %add3A_114 : i32
      %mul3A_117 = arith.constant 2 : i32
      %mul3A_118 = arith.muli %mul3A_117, %add3A_116 : i32
      %broadcast_in_dim3A = vector.broadcast %mul3A_118 : i32 to vector<16xi32>
      %gather3A = tpu.vector_load_idx %arg9[%broadcast_in_dim3A] : memref<128xf32, #tpu.memory_space<vmem>>[vector<16xi32>], vector<16xf32>,
      %add3A_119 = arith.constant 16 : i32
      %add3A_120 = arith.addi %add3A_119, %add3A_114 : i32
      %mul3A_121 = arith.constant 2 : i32
      %mul3A_122 = arith.muli %mul3A_121, %add3A_120 : i32
      %add3A_123 = arith.constant 1 : i32
      %add3A_124 = arith.addi %mul3A_122, %add3A_123 : i32
      %broadcast_in_dim3A_125 = vector.broadcast %add3A_124 : i32 to vector<16xi32>
      %gather3A_126 = tpu.vector_load_idx %arg9[%broadcast_in_dim3A_125] : memref<128xf32, #tpu.memory_space<vmem>>[vector<16xi32>], vector<16xf32>,
      %scan3A_127 = arith.constant 0 : i32
      %scan3A_128 = arith.constant 16 : i32
      %scan3A_129 = arith.addi %scan3A_127, %scan3A_128 : i32
      %scan3A_130 = arith.constant 1 : i32
      scf.for %scan3A_132 = %scan3A_127 to %scan3A_129 step %scan3A_130  : i32 {
        %mul3A_133 = arith.constant 64 : i32
        %mul3A_134 = arith.muli %scan3A_132, %mul3A_133 : i32
        %add3A_135 = arith.constant 0 : i32
        %add3A_136 = arith.addi %add3A_135, %mul3A_134 : i32
        %add3A_137 = arith.constant 0 : i32
        %add3A_138 = arith.addi %add3A_136, %add3A_137 : i32
        %get3A = arith.index_cast %add3A_114 : i32 to index
        %get3A_139 = arith.index_cast %add3A_138 : i32 to index
        %get3A_140 = tpu.vector_load %arg11[%get3A, %get3A_139] {strides = array<i32>} : memref<16x1024xf32, #tpu.memory_space<vmem>>, vector<16xf32>,
        %mul3A_141 = arith.mulf %gather3A, %get3A_140 : vector<16xf32>
        %get3A_142 = arith.index_cast %add3A_114 : i32 to index
        %get3A_143 = arith.index_cast %add3A_138 : i32 to index
        %get3A_144 = tpu.vector_load %arg13[%get3A_142, %get3A_143] {strides = array<i32>} : memref<16x1024xf32, #tpu.memory_space<vmem>>, vector<16xf32>,
        %mul3A_145 = arith.mulf %gather3A_126, %get3A_144 : vector<16xf32>
        %add3A_146 = arith.addf %mul3A_141, %mul3A_145 : vector<16xf32>
        %swap3A = arith.index_cast %add3A_114 : i32 to index
        %swap3A_147 = arith.index_cast %add3A_138 : i32 to index
        %swap3A_148 = tpu.vector_load %arg11[%swap3A, %swap3A_147] {strides = array<i32>} : memref<16x1024xf32, #tpu.memory_space<vmem>>, vector<16xf32>,
        tpu.vector_store %arg11[%swap3A, %swap3A_147], %add3A_146 {strides = array<i32>} : memref<16x1024xf32, #tpu.memory_space<vmem>>, vector<16xf32>,
        %add3A_149 = arith.constant 16 : i32
        %add3A_150 = arith.addi %add3A_136, %add3A_149 : i32
        %get3A_151 = arith.index_cast %add3A_114 : i32 to index
        %get3A_152 = arith.index_cast %add3A_150 : i32 to index
        %get3A_153 = tpu.vector_load %arg11[%get3A_151, %get3A_152] {strides = array<i32>} : memref<16x1024xf32, #tpu.memory_space<vmem>>, vector<16xf32>,
        %mul3A_154 = arith.mulf %gather3A, %get3A_153 : vector<16xf32>
        %get3A_155 = arith.index_cast %add3A_114 : i32 to index
        %get3A_156 = arith.index_cast %add3A_150 : i32 to index
        %get3A_157 = tpu.vector_load %arg13[%get3A_155, %get3A_156] {strides = array<i32>} : memref<16x1024xf32, #tpu.memory_space<vmem>>, vector<16xf32>,
        %mul3A_158 = arith.mulf %gather3A_126, %get3A_157 : vector<16xf32>
        %add3A_159 = arith.addf %mul3A_154, %mul3A_158 : vector<16xf32>
        %swap3A_160 = arith.index_cast %add3A_114 : i32 to index
        %swap3A_161 = arith.index_cast %add3A_150 : i32 to index
        %swap3A_162 = tpu.vector_load %arg11[%swap3A_160, %swap3A_161] {strides = array<i32>} : memref<16x1024xf32, #tpu.memory_space<vmem>>, vector<16xf32>,
        tpu.vector_store %arg11[%swap3A_160, %swap3A_161], %add3A_159 {strides = array<i32>} : memref<16x1024xf32, #tpu.memory_space<vmem>>, vector<16xf32>,
        %add3A_163 = arith.constant 32 : i32
        %add3A_164 = arith.addi %add3A_136, %add3A_163 : i32
        %get3A_165 = arith.index_cast %add3A_114 : i32 to index
        %get3A_166 = arith.index_cast %add3A_164 : i32 to index
        %get3A_167 = tpu.vector_load %arg11[%get3A_165, %get3A_166] {strides = array<i32>} : memref<16x1024xf32, #tpu.memory_space<vmem>>, vector<16xf32>,
        %mul3A_168 = arith.mulf %gather3A, %get3A_167 : vector<16xf32>
        %get3A_169 = arith.index_cast %add3A_114 : i32 to index
        %get3A_170 = arith.index_cast %add3A_164 : i32 to index
        %get3A_171 = tpu.vector_load %arg13[%get3A_169, %get3A_170] {strides = array<i32>} : memref<16x1024xf32, #tpu.memory_space<vmem>>, vector<16xf32>,
        %mul3A_172 = arith.mulf %gather3A_126, %get3A_171 : vector<16xf32>
        %add3A_173 = arith.addf %mul3A_168, %mul3A_172 : vector<16xf32>
        %swap3A_174 = arith.index_cast %add3A_114 : i32 to index
        %swap3A_175 = arith.index_cast %add3A_164 : i32 to index
        %swap3A_176 = tpu.vector_load %arg11[%swap3A_174, %swap3A_175] {strides = array<i32>} : memref<16x1024xf32, #tpu.memory_space<vmem>>, vector<16xf32>,
        tpu.vector_store %arg11[%swap3A_174, %swap3A_175], %add3A_173 {strides = array<i32>} : memref<16x1024xf32, #tpu.memory_space<vmem>>, vector<16xf32>,
        %add3A_177 = arith.constant 48 : i32
        %add3A_178 = arith.addi %add3A_136, %add3A_177 : i32
        %get3A_179 = arith.index_cast %add3A_114 : i32 to index
        %get3A_180 = arith.index_cast %add3A_178 : i32 to index
        %get3A_181 = tpu.vector_load %arg11[%get3A_179, %get3A_180] {strides = array<i32>} : memref<16x1024xf32, #tpu.memory_space<vmem>>, vector<16xf32>,
        %mul3A_182 = arith.mulf %gather3A, %get3A_181 : vector<16xf32>
        %get3A_183 = arith.index_cast %add3A_114 : i32 to index
        %get3A_184 = arith.index_cast %add3A_178 : i32 to index
        %get3A_185 = tpu.vector_load %arg13[%get3A_183, %get3A_184] {strides = array<i32>} : memref<16x1024xf32, #tpu.memory_space<vmem>>, vector<16xf32>,
        %mul3A_186 = arith.mulf %gather3A_126, %get3A_185 : vector<16xf32>
        %add3A_187 = arith.addf %mul3A_182, %mul3A_186 : vector<16xf32>
        %swap3A_188 = arith.index_cast %add3A_114 : i32 to index
        %swap3A_189 = arith.index_cast %add3A_178 : i32 to index
        %swap3A_190 = tpu.vector_load %arg11[%swap3A_188, %swap3A_189] {strides = array<i32>} : memref<16x1024xf32, #tpu.memory_space<vmem>>, vector<16xf32>,
        tpu.vector_store %arg11[%swap3A_188, %swap3A_189], %add3A_187 {strides = array<i32>} : memref<16x1024xf32, #tpu.memory_space<vmem>>, vector<16xf32>,
      }
      %scan3A_131 = arith.constant 16 : i32
    }
    %scan3A_63 = arith.constant 16 : i32
    %add3A_64 = arith.constant 16 : i32
    %add3A_65 = arith.addi %mul3A_2, %add3A_64 : i32
    "tpu.region"() ({
      %run_scoped3A = tpu.sem_alloc : memref<!tpu.dma_semaphore, #tpu.memory_space<semaphore_mem>>
      %dma_start3A_110 = arith.constant 0 : i32
      %dma_start3A_111 = tpu.memref_slice %arg6[%add3A_65, %dma_start3A_110] : memref<2048x1024xf32, #tpu.memory_space<hbm>> -> memref<16x1024xf32, #tpu.memory_space<hbm>>
      %dma_start3A_112 = arith.constant 0 : i32
      %dma_start3A_113 = tpu.memref_slice %arg6[%add3A_65, %dma_start3A_112] : memref<2048x1024xf32, #tpu.memory_space<hbm>> -> memref<16x1024xf32, #tpu.memory_space<hbm>>
      tpu.enqueue_dma source(%arg11 : memref<16x1024xf32, #tpu.memory_space<vmem>>) target(%dma_start3A_113 : memref<16x1024xf32, #tpu.memory_space<hbm>>) target_semaphore(%run_scoped3A : memref<!tpu.dma_semaphore, #tpu.memory_space<semaphore_mem>>)
      %dma_wait3A_114 = arith.constant 0 : i32
      %dma_wait3A_115 = tpu.memref_slice %arg6[%add3A_65, %dma_wait3A_114] : memref<2048x1024xf32, #tpu.memory_space<hbm>> -> memref<16x1024xf32, #tpu.memory_space<hbm>>
      %dma_wait3A_116 = arith.constant 0 : i32
      %dma_wait3A_117 = tpu.memref_slice %arg6[%add3A_65, %dma_wait3A_116] : memref<2048x1024xf32, #tpu.memory_space<hbm>> -> memref<16x1024xf32, #tpu.memory_space<hbm>>
      tpu.wait_dma2 semaphore(%run_scoped3A : memref<!tpu.dma_semaphore, #tpu.memory_space<semaphore_mem>>) src(%arg11 : memref<16x1024xf32, #tpu.memory_space<vmem>>) dst(%dma_wait3A_117 : memref<16x1024xf32, #tpu.memory_space<hbm>>)
      tpu.yield
    }) : () -> ()
    %dma_wait3A_66 = arith.constant 32 : i32
    %dma_wait3A_67 = tpu.memref_slice %arg7[%dma_wait3A_66] : memref<64xi32, #tpu.memory_space<vmem>> -> memref<16xi32, #tpu.memory_space<vmem>>
    %dma_wait3A_68 = arith.constant 0 : i32
    %dma_wait3A_69 = arith.constant 0 : i32
    %dma_wait3A_70 = tpu.memref_slice %arg2[%dma_wait3A_68, %dma_wait3A_69] : memref<6144x1024xf32, #tpu.memory_space<hbm>> -> memref<6144x1024xf32, #tpu.memory_space<hbm>>
    tpu.wait_indirect_dma semaphore(%arg14 : memref<!tpu.dma_semaphore, #tpu.memory_space<semaphore_mem>>) src(%dma_wait3A_70 : memref<6144x1024xf32, #tpu.memory_space<hbm>>) dst(%arg10 : memref<16x1024xf32, #tpu.memory_space<vmem>>)
    %dma_wait3A_71 = arith.constant 32 : i32
    %dma_wait3A_72 = tpu.memref_slice %arg8[%dma_wait3A_71] : memref<64xi32, #tpu.memory_space<vmem>> -> memref<16xi32, #tpu.memory_space<vmem>>
    %dma_wait3A_73 = arith.constant 0 : i32
    %dma_wait3A_74 = arith.constant 0 : i32
    %dma_wait3A_75 = tpu.memref_slice %arg2[%dma_wait3A_73, %dma_wait3A_74] : memref<6144x1024xf32, #tpu.memory_space<hbm>> -> memref<6144x1024xf32, #tpu.memory_space<hbm>>
    tpu.wait_indirect_dma semaphore(%arg14 : memref<!tpu.dma_semaphore, #tpu.memory_space<semaphore_mem>>) src(%dma_wait3A_75 : memref<6144x1024xf32, #tpu.memory_space<hbm>>) dst(%arg12 : memref<16x1024xf32, #tpu.memory_space<vmem>>)
    %dma_start3A_76 = arith.constant 48 : i32
    %dma_start3A_77 = tpu.memref_slice %arg7[%dma_start3A_76] : memref<64xi32, #tpu.memory_space<vmem>> -> memref<16xi32, #tpu.memory_space<vmem>>
    %dma_start3A_78 = arith.constant 0 : i32
    %dma_start3A_79 = arith.constant 0 : i32
    %dma_start3A_80 = tpu.memref_slice %arg2[%dma_start3A_78, %dma_start3A_79] : memref<6144x1024xf32, #tpu.memory_space<hbm>> -> memref<6144x1024xf32, #tpu.memory_space<hbm>>
    tpu.enqueue_indirect_dma source(%dma_start3A_80 : memref<6144x1024xf32, #tpu.memory_space<hbm>>) target(%arg11 : memref<16x1024xf32, #tpu.memory_space<vmem>>) offsets(%dma_start3A_77 : memref<16xi32, #tpu.memory_space<vmem>>) semaphore(%arg14 : memref<!tpu.dma_semaphore, #tpu.memory_space<semaphore_mem>>)
    %dma_start3A_81 = arith.constant 48 : i32
    %dma_start3A_82 = tpu.memref_slice %arg8[%dma_start3A_81] : memref<64xi32, #tpu.memory_space<vmem>> -> memref<16xi32, #tpu.memory_space<vmem>>
    %dma_start3A_83 = arith.constant 0 : i32
    %dma_start3A_84 = arith.constant 0 : i32
    %dma_start3A_85 = tpu.memref_slice %arg2[%dma_start3A_83, %dma_start3A_84] : memref<6144x1024xf32, #tpu.memory_space<hbm>> -> memref<6144x1024xf32, #tpu.memory_space<hbm>>
    tpu.enqueue_indirect_dma source(%dma_start3A_85 : memref<6144x1024xf32, #tpu.memory_space<hbm>>) target(%arg13 : memref<16x1024xf32, #tpu.memory_space<vmem>>) offsets(%dma_start3A_82 : memref<16xi32, #tpu.memory_space<vmem>>) semaphore(%arg14 : memref<!tpu.dma_semaphore, #tpu.memory_space<semaphore_mem>>)
    %scan3A_86 = arith.constant 0 : i32
    %scan3A_87 = arith.constant 16 : i32
    %scan3A_88 = arith.addi %scan3A_86, %scan3A_87 : i32
    %scan3A_89 = arith.constant 1 : i32
    scf.for %scan3A_110 = %scan3A_86 to %scan3A_88 step %scan3A_89  : i32 {
      %mul3A_111 = arith.constant 1 : i32
      %mul3A_112 = arith.muli %scan3A_110, %mul3A_111 : i32
      %add3A_113 = arith.constant 0 : i32
      %add3A_114 = arith.addi %add3A_113, %mul3A_112 : i32
      %add3A_115 = arith.constant 32 : i32
      %add3A_116 = arith.addi %add3A_115, %add3A_114 : i32
      %mul3A_117 = arith.constant 2 : i32
      %mul3A_118 = arith.muli %mul3A_117, %add3A_116 : i32
      %broadcast_in_dim3A = vector.broadcast %mul3A_118 : i32 to vector<16xi32>
      %gather3A = tpu.vector_load_idx %arg9[%broadcast_in_dim3A] : memref<128xf32, #tpu.memory_space<vmem>>[vector<16xi32>], vector<16xf32>,
      %add3A_119 = arith.constant 32 : i32
      %add3A_120 = arith.addi %add3A_119, %add3A_114 : i32
      %mul3A_121 = arith.constant 2 : i32
      %mul3A_122 = arith.muli %mul3A_121, %add3A_120 : i32
      %add3A_123 = arith.constant 1 : i32
      %add3A_124 = arith.addi %mul3A_122, %add3A_123 : i32
      %broadcast_in_dim3A_125 = vector.broadcast %add3A_124 : i32 to vector<16xi32>
      %gather3A_126 = tpu.vector_load_idx %arg9[%broadcast_in_dim3A_125] : memref<128xf32, #tpu.memory_space<vmem>>[vector<16xi32>], vector<16xf32>,
      %scan3A_127 = arith.constant 0 : i32
      %scan3A_128 = arith.constant 16 : i32
      %scan3A_129 = arith.addi %scan3A_127, %scan3A_128 : i32
      %scan3A_130 = arith.constant 1 : i32
      scf.for %scan3A_132 = %scan3A_127 to %scan3A_129 step %scan3A_130  : i32 {
        %mul3A_133 = arith.constant 64 : i32
        %mul3A_134 = arith.muli %scan3A_132, %mul3A_133 : i32
        %add3A_135 = arith.constant 0 : i32
        %add3A_136 = arith.addi %add3A_135, %mul3A_134 : i32
        %add3A_137 = arith.constant 0 : i32
        %add3A_138 = arith.addi %add3A_136, %add3A_137 : i32
        %get3A = arith.index_cast %add3A_114 : i32 to index
        %get3A_139 = arith.index_cast %add3A_138 : i32 to index
        %get3A_140 = tpu.vector_load %arg10[%get3A, %get3A_139] {strides = array<i32>} : memref<16x1024xf32, #tpu.memory_space<vmem>>, vector<16xf32>,
        %mul3A_141 = arith.mulf %gather3A, %get3A_140 : vector<16xf32>
        %get3A_142 = arith.index_cast %add3A_114 : i32 to index
        %get3A_143 = arith.index_cast %add3A_138 : i32 to index
        %get3A_144 = tpu.vector_load %arg12[%get3A_142, %get3A_143] {strides = array<i32>} : memref<16x1024xf32, #tpu.memory_space<vmem>>, vector<16xf32>,
        %mul3A_145 = arith.mulf %gather3A_126, %get3A_144 : vector<16xf32>
        %add3A_146 = arith.addf %mul3A_141, %mul3A_145 : vector<16xf32>
        %swap3A = arith.index_cast %add3A_114 : i32 to index
        %swap3A_147 = arith.index_cast %add3A_138 : i32 to index
        %swap3A_148 = tpu.vector_load %arg10[%swap3A, %swap3A_147] {strides = array<i32>} : memref<16x1024xf32, #tpu.memory_space<vmem>>, vector<16xf32>,
        tpu.vector_store %arg10[%swap3A, %swap3A_147], %add3A_146 {strides = array<i32>} : memref<16x1024xf32, #tpu.memory_space<vmem>>, vector<16xf32>,
        %add3A_149 = arith.constant 16 : i32
        %add3A_150 = arith.addi %add3A_136, %add3A_149 : i32
        %get3A_151 = arith.index_cast %add3A_114 : i32 to index
        %get3A_152 = arith.index_cast %add3A_150 : i32 to index
        %get3A_153 = tpu.vector_load %arg10[%get3A_151, %get3A_152] {strides = array<i32>} : memref<16x1024xf32, #tpu.memory_space<vmem>>, vector<16xf32>,
        %mul3A_154 = arith.mulf %gather3A, %get3A_153 : vector<16xf32>
        %get3A_155 = arith.index_cast %add3A_114 : i32 to index
        %get3A_156 = arith.index_cast %add3A_150 : i32 to index
        %get3A_157 = tpu.vector_load %arg12[%get3A_155, %get3A_156] {strides = array<i32>} : memref<16x1024xf32, #tpu.memory_space<vmem>>, vector<16xf32>,
        %mul3A_158 = arith.mulf %gather3A_126, %get3A_157 : vector<16xf32>
        %add3A_159 = arith.addf %mul3A_154, %mul3A_158 : vector<16xf32>
        %swap3A_160 = arith.index_cast %add3A_114 : i32 to index
        %swap3A_161 = arith.index_cast %add3A_150 : i32 to index
        %swap3A_162 = tpu.vector_load %arg10[%swap3A_160, %swap3A_161] {strides = array<i32>} : memref<16x1024xf32, #tpu.memory_space<vmem>>, vector<16xf32>,
        tpu.vector_store %arg10[%swap3A_160, %swap3A_161], %add3A_159 {strides = array<i32>} : memref<16x1024xf32, #tpu.memory_space<vmem>>, vector<16xf32>,
        %add3A_163 = arith.constant 32 : i32
        %add3A_164 = arith.addi %add3A_136, %add3A_163 : i32
        %get3A_165 = arith.index_cast %add3A_114 : i32 to index
        %get3A_166 = arith.index_cast %add3A_164 : i32 to index
        %get3A_167 = tpu.vector_load %arg10[%get3A_165, %get3A_166] {strides = array<i32>} : memref<16x1024xf32, #tpu.memory_space<vmem>>, vector<16xf32>,
        %mul3A_168 = arith.mulf %gather3A, %get3A_167 : vector<16xf32>
        %get3A_169 = arith.index_cast %add3A_114 : i32 to index
        %get3A_170 = arith.index_cast %add3A_164 : i32 to index
        %get3A_171 = tpu.vector_load %arg12[%get3A_169, %get3A_170] {strides = array<i32>} : memref<16x1024xf32, #tpu.memory_space<vmem>>, vector<16xf32>,
        %mul3A_172 = arith.mulf %gather3A_126, %get3A_171 : vector<16xf32>
        %add3A_173 = arith.addf %mul3A_168, %mul3A_172 : vector<16xf32>
        %swap3A_174 = arith.index_cast %add3A_114 : i32 to index
        %swap3A_175 = arith.index_cast %add3A_164 : i32 to index
        %swap3A_176 = tpu.vector_load %arg10[%swap3A_174, %swap3A_175] {strides = array<i32>} : memref<16x1024xf32, #tpu.memory_space<vmem>>, vector<16xf32>,
        tpu.vector_store %arg10[%swap3A_174, %swap3A_175], %add3A_173 {strides = array<i32>} : memref<16x1024xf32, #tpu.memory_space<vmem>>, vector<16xf32>,
        %add3A_177 = arith.constant 48 : i32
        %add3A_178 = arith.addi %add3A_136, %add3A_177 : i32
        %get3A_179 = arith.index_cast %add3A_114 : i32 to index
        %get3A_180 = arith.index_cast %add3A_178 : i32 to index
        %get3A_181 = tpu.vector_load %arg10[%get3A_179, %get3A_180] {strides = array<i32>} : memref<16x1024xf32, #tpu.memory_space<vmem>>, vector<16xf32>,
        %mul3A_182 = arith.mulf %gather3A, %get3A_181 : vector<16xf32>
        %get3A_183 = arith.index_cast %add3A_114 : i32 to index
        %get3A_184 = arith.index_cast %add3A_178 : i32 to index
        %get3A_185 = tpu.vector_load %arg12[%get3A_183, %get3A_184] {strides = array<i32>} : memref<16x1024xf32, #tpu.memory_space<vmem>>, vector<16xf32>,
        %mul3A_186 = arith.mulf %gather3A_126, %get3A_185 : vector<16xf32>
        %add3A_187 = arith.addf %mul3A_182, %mul3A_186 : vector<16xf32>
        %swap3A_188 = arith.index_cast %add3A_114 : i32 to index
        %swap3A_189 = arith.index_cast %add3A_178 : i32 to index
        %swap3A_190 = tpu.vector_load %arg10[%swap3A_188, %swap3A_189] {strides = array<i32>} : memref<16x1024xf32, #tpu.memory_space<vmem>>, vector<16xf32>,
        tpu.vector_store %arg10[%swap3A_188, %swap3A_189], %add3A_187 {strides = array<i32>} : memref<16x1024xf32, #tpu.memory_space<vmem>>, vector<16xf32>,
      }
      %scan3A_131 = arith.constant 16 : i32
    }
    %scan3A_90 = arith.constant 16 : i32
    %add3A_91 = arith.constant 32 : i32
    %add3A_92 = arith.addi %mul3A_2, %add3A_91 : i32
    "tpu.region"() ({
      %run_scoped3A = tpu.sem_alloc : memref<!tpu.dma_semaphore, #tpu.memory_space<semaphore_mem>>
      %dma_start3A_110 = arith.constant 0 : i32
      %dma_start3A_111 = tpu.memref_slice %arg6[%add3A_92, %dma_start3A_110] : memref<2048x1024xf32, #tpu.memory_space<hbm>> -> memref<16x1024xf32, #tpu.memory_space<hbm>>
      %dma_start3A_112 = arith.constant 0 : i32
      %dma_start3A_113 = tpu.memref_slice %arg6[%add3A_92, %dma_start3A_112] : memref<2048x1024xf32, #tpu.memory_space<hbm>> -> memref<16x1024xf32, #tpu.memory_space<hbm>>
      tpu.enqueue_dma source(%arg10 : memref<16x1024xf32, #tpu.memory_space<vmem>>) target(%dma_start3A_113 : memref<16x1024xf32, #tpu.memory_space<hbm>>) target_semaphore(%run_scoped3A : memref<!tpu.dma_semaphore, #tpu.memory_space<semaphore_mem>>)
      %dma_wait3A_114 = arith.constant 0 : i32
      %dma_wait3A_115 = tpu.memref_slice %arg6[%add3A_92, %dma_wait3A_114] : memref<2048x1024xf32, #tpu.memory_space<hbm>> -> memref<16x1024xf32, #tpu.memory_space<hbm>>
      %dma_wait3A_116 = arith.constant 0 : i32
      %dma_wait3A_117 = tpu.memref_slice %arg6[%add3A_92, %dma_wait3A_116] : memref<2048x1024xf32, #tpu.memory_space<hbm>> -> memref<16x1024xf32, #tpu.memory_space<hbm>>
      tpu.wait_dma2 semaphore(%run_scoped3A : memref<!tpu.dma_semaphore, #tpu.memory_space<semaphore_mem>>) src(%arg10 : memref<16x1024xf32, #tpu.memory_space<vmem>>) dst(%dma_wait3A_117 : memref<16x1024xf32, #tpu.memory_space<hbm>>)
      tpu.yield
    }) : () -> ()
    %dma_wait3A_93 = arith.constant 48 : i32
    %dma_wait3A_94 = tpu.memref_slice %arg7[%dma_wait3A_93] : memref<64xi32, #tpu.memory_space<vmem>> -> memref<16xi32, #tpu.memory_space<vmem>>
    %dma_wait3A_95 = arith.constant 0 : i32
    %dma_wait3A_96 = arith.constant 0 : i32
    %dma_wait3A_97 = tpu.memref_slice %arg2[%dma_wait3A_95, %dma_wait3A_96] : memref<6144x1024xf32, #tpu.memory_space<hbm>> -> memref<6144x1024xf32, #tpu.memory_space<hbm>>
    tpu.wait_indirect_dma semaphore(%arg14 : memref<!tpu.dma_semaphore, #tpu.memory_space<semaphore_mem>>) src(%dma_wait3A_97 : memref<6144x1024xf32, #tpu.memory_space<hbm>>) dst(%arg11 : memref<16x1024xf32, #tpu.memory_space<vmem>>)
    %dma_wait3A_98 = arith.constant 48 : i32
    %dma_wait3A_99 = tpu.memref_slice %arg8[%dma_wait3A_98] : memref<64xi32, #tpu.memory_space<vmem>> -> memref<16xi32, #tpu.memory_space<vmem>>
    %dma_wait3A_100 = arith.constant 0 : i32
    %dma_wait3A_101 = arith.constant 0 : i32
    %dma_wait3A_102 = tpu.memref_slice %arg2[%dma_wait3A_100, %dma_wait3A_101] : memref<6144x1024xf32, #tpu.memory_space<hbm>> -> memref<6144x1024xf32, #tpu.memory_space<hbm>>
    tpu.wait_indirect_dma semaphore(%arg14 : memref<!tpu.dma_semaphore, #tpu.memory_space<semaphore_mem>>) src(%dma_wait3A_102 : memref<6144x1024xf32, #tpu.memory_space<hbm>>) dst(%arg13 : memref<16x1024xf32, #tpu.memory_space<vmem>>)
    %scan3A_103 = arith.constant 0 : i32
    %scan3A_104 = arith.constant 16 : i32
    %scan3A_105 = arith.addi %scan3A_103, %scan3A_104 : i32
    %scan3A_106 = arith.constant 1 : i32
    scf.for %scan3A_110 = %scan3A_103 to %scan3A_105 step %scan3A_106  : i32 {
      %mul3A_111 = arith.constant 1 : i32
      %mul3A_112 = arith.muli %scan3A_110, %mul3A_111 : i32
      %add3A_113 = arith.constant 0 : i32
      %add3A_114 = arith.addi %add3A_113, %mul3A_112 : i32
      %add3A_115 = arith.constant 48 : i32
      %add3A_116 = arith.addi %add3A_115, %add3A_114 : i32
      %mul3A_117 = arith.constant 2 : i32
      %mul3A_118 = arith.muli %mul3A_117, %add3A_116 : i32
      %broadcast_in_dim3A = vector.broadcast %mul3A_118 : i32 to vector<16xi32>
      %gather3A = tpu.vector_load_idx %arg9[%broadcast_in_dim3A] : memref<128xf32, #tpu.memory_space<vmem>>[vector<16xi32>], vector<16xf32>,
      %add3A_119 = arith.constant 48 : i32
      %add3A_120 = arith.addi %add3A_119, %add3A_114 : i32
      %mul3A_121 = arith.constant 2 : i32
      %mul3A_122 = arith.muli %mul3A_121, %add3A_120 : i32
      %add3A_123 = arith.constant 1 : i32
      %add3A_124 = arith.addi %mul3A_122, %add3A_123 : i32
      %broadcast_in_dim3A_125 = vector.broadcast %add3A_124 : i32 to vector<16xi32>
      %gather3A_126 = tpu.vector_load_idx %arg9[%broadcast_in_dim3A_125] : memref<128xf32, #tpu.memory_space<vmem>>[vector<16xi32>], vector<16xf32>,
      %scan3A_127 = arith.constant 0 : i32
      %scan3A_128 = arith.constant 16 : i32
      %scan3A_129 = arith.addi %scan3A_127, %scan3A_128 : i32
      %scan3A_130 = arith.constant 1 : i32
      scf.for %scan3A_132 = %scan3A_127 to %scan3A_129 step %scan3A_130  : i32 {
        %mul3A_133 = arith.constant 64 : i32
        %mul3A_134 = arith.muli %scan3A_132, %mul3A_133 : i32
        %add3A_135 = arith.constant 0 : i32
        %add3A_136 = arith.addi %add3A_135, %mul3A_134 : i32
        %add3A_137 = arith.constant 0 : i32
        %add3A_138 = arith.addi %add3A_136, %add3A_137 : i32
        %get3A = arith.index_cast %add3A_114 : i32 to index
        %get3A_139 = arith.index_cast %add3A_138 : i32 to index
        %get3A_140 = tpu.vector_load %arg11[%get3A, %get3A_139] {strides = array<i32>} : memref<16x1024xf32, #tpu.memory_space<vmem>>, vector<16xf32>,
        %mul3A_141 = arith.mulf %gather3A, %get3A_140 : vector<16xf32>
        %get3A_142 = arith.index_cast %add3A_114 : i32 to index
        %get3A_143 = arith.index_cast %add3A_138 : i32 to index
        %get3A_144 = tpu.vector_load %arg13[%get3A_142, %get3A_143] {strides = array<i32>} : memref<16x1024xf32, #tpu.memory_space<vmem>>, vector<16xf32>,
        %mul3A_145 = arith.mulf %gather3A_126, %get3A_144 : vector<16xf32>
        %add3A_146 = arith.addf %mul3A_141, %mul3A_145 : vector<16xf32>
        %swap3A = arith.index_cast %add3A_114 : i32 to index
        %swap3A_147 = arith.index_cast %add3A_138 : i32 to index
        %swap3A_148 = tpu.vector_load %arg11[%swap3A, %swap3A_147] {strides = array<i32>} : memref<16x1024xf32, #tpu.memory_space<vmem>>, vector<16xf32>,
        tpu.vector_store %arg11[%swap3A, %swap3A_147], %add3A_146 {strides = array<i32>} : memref<16x1024xf32, #tpu.memory_space<vmem>>, vector<16xf32>,
        %add3A_149 = arith.constant 16 : i32
        %add3A_150 = arith.addi %add3A_136, %add3A_149 : i32
        %get3A_151 = arith.index_cast %add3A_114 : i32 to index
        %get3A_152 = arith.index_cast %add3A_150 : i32 to index
        %get3A_153 = tpu.vector_load %arg11[%get3A_151, %get3A_152] {strides = array<i32>} : memref<16x1024xf32, #tpu.memory_space<vmem>>, vector<16xf32>,
        %mul3A_154 = arith.mulf %gather3A, %get3A_153 : vector<16xf32>
        %get3A_155 = arith.index_cast %add3A_114 : i32 to index
        %get3A_156 = arith.index_cast %add3A_150 : i32 to index
        %get3A_157 = tpu.vector_load %arg13[%get3A_155, %get3A_156] {strides = array<i32>} : memref<16x1024xf32, #tpu.memory_space<vmem>>, vector<16xf32>,
        %mul3A_158 = arith.mulf %gather3A_126, %get3A_157 : vector<16xf32>
        %add3A_159 = arith.addf %mul3A_154, %mul3A_158 : vector<16xf32>
        %swap3A_160 = arith.index_cast %add3A_114 : i32 to index
        %swap3A_161 = arith.index_cast %add3A_150 : i32 to index
        %swap3A_162 = tpu.vector_load %arg11[%swap3A_160, %swap3A_161] {strides = array<i32>} : memref<16x1024xf32, #tpu.memory_space<vmem>>, vector<16xf32>,
        tpu.vector_store %arg11[%swap3A_160, %swap3A_161], %add3A_159 {strides = array<i32>} : memref<16x1024xf32, #tpu.memory_space<vmem>>, vector<16xf32>,
        %add3A_163 = arith.constant 32 : i32
        %add3A_164 = arith.addi %add3A_136, %add3A_163 : i32
        %get3A_165 = arith.index_cast %add3A_114 : i32 to index
        %get3A_166 = arith.index_cast %add3A_164 : i32 to index
        %get3A_167 = tpu.vector_load %arg11[%get3A_165, %get3A_166] {strides = array<i32>} : memref<16x1024xf32, #tpu.memory_space<vmem>>, vector<16xf32>,
        %mul3A_168 = arith.mulf %gather3A, %get3A_167 : vector<16xf32>
        %get3A_169 = arith.index_cast %add3A_114 : i32 to index
        %get3A_170 = arith.index_cast %add3A_164 : i32 to index
        %get3A_171 = tpu.vector_load %arg13[%get3A_169, %get3A_170] {strides = array<i32>} : memref<16x1024xf32, #tpu.memory_space<vmem>>, vector<16xf32>,
        %mul3A_172 = arith.mulf %gather3A_126, %get3A_171 : vector<16xf32>
        %add3A_173 = arith.addf %mul3A_168, %mul3A_172 : vector<16xf32>
        %swap3A_174 = arith.index_cast %add3A_114 : i32 to index
        %swap3A_175 = arith.index_cast %add3A_164 : i32 to index
        %swap3A_176 = tpu.vector_load %arg11[%swap3A_174, %swap3A_175] {strides = array<i32>} : memref<16x1024xf32, #tpu.memory_space<vmem>>, vector<16xf32>,
        tpu.vector_store %arg11[%swap3A_174, %swap3A_175], %add3A_173 {strides = array<i32>} : memref<16x1024xf32, #tpu.memory_space<vmem>>, vector<16xf32>,
        %add3A_177 = arith.constant 48 : i32
        %add3A_178 = arith.addi %add3A_136, %add3A_177 : i32
        %get3A_179 = arith.index_cast %add3A_114 : i32 to index
        %get3A_180 = arith.index_cast %add3A_178 : i32 to index
        %get3A_181 = tpu.vector_load %arg11[%get3A_179, %get3A_180] {strides = array<i32>} : memref<16x1024xf32, #tpu.memory_space<vmem>>, vector<16xf32>,
        %mul3A_182 = arith.mulf %gather3A, %get3A_181 : vector<16xf32>
        %get3A_183 = arith.index_cast %add3A_114 : i32 to index
        %get3A_184 = arith.index_cast %add3A_178 : i32 to index
        %get3A_185 = tpu.vector_load %arg13[%get3A_183, %get3A_184] {strides = array<i32>} : memref<16x1024xf32, #tpu.memory_space<vmem>>, vector<16xf32>,
        %mul3A_186 = arith.mulf %gather3A_126, %get3A_185 : vector<16xf32>
        %add3A_187 = arith.addf %mul3A_182, %mul3A_186 : vector<16xf32>
        %swap3A_188 = arith.index_cast %add3A_114 : i32 to index
        %swap3A_189 = arith.index_cast %add3A_178 : i32 to index
        %swap3A_190 = tpu.vector_load %arg11[%swap3A_188, %swap3A_189] {strides = array<i32>} : memref<16x1024xf32, #tpu.memory_space<vmem>>, vector<16xf32>,
        tpu.vector_store %arg11[%swap3A_188, %swap3A_189], %add3A_187 {strides = array<i32>} : memref<16x1024xf32, #tpu.memory_space<vmem>>, vector<16xf32>,
      }
      %scan3A_131 = arith.constant 16 : i32
    }
    %scan3A_107 = arith.constant 16 : i32
    %add3A_108 = arith.constant 48 : i32
    %add3A_109 = arith.addi %mul3A_2, %add3A_108 : i32
    "tpu.region"() ({
      %run_scoped3A = tpu.sem_alloc : memref<!tpu.dma_semaphore, #tpu.memory_space<semaphore_mem>>
      %dma_start3A_110 = arith.constant 0 : i32
      %dma_start3A_111 = tpu.memref_slice %arg6[%add3A_109, %dma_start3A_110] : memref<2048x1024xf32, #tpu.memory_space<hbm>> -> memref<16x1024xf32, #tpu.memory_space<hbm>>
      %dma_start3A_112 = arith.constant 0 : i32
      %dma_start3A_113 = tpu.memref_slice %arg6[%add3A_109, %dma_start3A_112] : memref<2048x1024xf32, #tpu.memory_space<hbm>> -> memref<16x1024xf32, #tpu.memory_space<hbm>>
      tpu.enqueue_dma source(%arg11 : memref<16x1024xf32, #tpu.memory_space<vmem>>) target(%dma_start3A_113 : memref<16x1024xf32, #tpu.memory_space<hbm>>) target_semaphore(%run_scoped3A : memref<!tpu.dma_semaphore, #tpu.memory_space<semaphore_mem>>)
      %dma_wait3A_114 = arith.constant 0 : i32
      %dma_wait3A_115 = tpu.memref_slice %arg6[%add3A_109, %dma_wait3A_114] : memref<2048x1024xf32, #tpu.memory_space<hbm>> -> memref<16x1024xf32, #tpu.memory_space<hbm>>
      %dma_wait3A_116 = arith.constant 0 : i32
      %dma_wait3A_117 = tpu.memref_slice %arg6[%add3A_109, %dma_wait3A_116] : memref<2048x1024xf32, #tpu.memory_space<hbm>> -> memref<16x1024xf32, #tpu.memory_space<hbm>>
      tpu.wait_dma2 semaphore(%run_scoped3A : memref<!tpu.dma_semaphore, #tpu.memory_space<semaphore_mem>>) src(%arg11 : memref<16x1024xf32, #tpu.memory_space<vmem>>) dst(%dma_wait3A_117 : memref<16x1024xf32, #tpu.memory_space<hbm>>)
      tpu.yield
    }) : () -> ()
    return
  }
}

#map = affine_map<(d0, d1) -> (0, 0)>
#map1 = affine_map<(d0, d1) -> (0)>
module attributes {stable_mosaic.version = 14 : i64} {
  func.func @dispatch_kernel(%arg0: i32, %arg1: i32, %arg2: memref<2048x1024xf32, #tpu.memory_space<hbm>>, %arg3: memref<4096xi32, #tpu.memory_space<hbm>>, %arg4: memref<4096xi32, #tpu.memory_space<hbm>>, %arg5: memref<6144x1024xf32, #tpu.memory_space<hbm>>, %arg6: memref<128xi32, #tpu.memory_space<vmem>>, %arg7: memref<32xi32, #tpu.memory_space<vmem>>, %arg8: memref<32xi32, #tpu.memory_space<vmem>>, %arg9: memref<32x1024xf32, #tpu.memory_space<vmem>>, %arg10: memref<32x1024xf32, #tpu.memory_space<vmem>>, %arg11: memref<!tpu.dma_semaphore, #tpu.memory_space<semaphore_mem>>) attributes {dimension_semantics = [#tpu.dimension_semantics<core_parallel>, #tpu.dimension_semantics<subcore_parallel>], iteration_bounds = array<i64: 2, 16>, scalar_prefetch = 0 : i64, scratch_operands = 6 : i64, tpu.core_type = #tpu.core_type<sc_vector_subcore>, window_params = [{transform_indices = #map}, {transform_indices = #map1}, {transform_indices = #map1}, {transform_indices = #map}]} {
    %mul3A = arith.constant 2 : i32
    %mul3A_0 = arith.muli %arg1, %mul3A : i32
    %add3A = arith.addi %mul3A_0, %arg0 : i32
    %mul3A_1 = arith.constant 128 : i32
    %mul3A_2 = arith.muli %add3A, %mul3A_1 : i32
    "tpu.region"() ({
      %run_scoped3A = tpu.sem_alloc : memref<!tpu.dma_semaphore, #tpu.memory_space<semaphore_mem>>
      %dma_start3A_49 = tpu.memref_slice %arg3[%mul3A_2] : memref<4096xi32, #tpu.memory_space<hbm>> -> memref<128xi32, #tpu.memory_space<hbm>>
      %dma_start3A_50 = tpu.memref_slice %arg3[%mul3A_2] : memref<4096xi32, #tpu.memory_space<hbm>> -> memref<128xi32, #tpu.memory_space<hbm>>
      tpu.enqueue_dma source(%dma_start3A_50 : memref<128xi32, #tpu.memory_space<hbm>>) target(%arg6 : memref<128xi32, #tpu.memory_space<vmem>>) target_semaphore(%run_scoped3A : memref<!tpu.dma_semaphore, #tpu.memory_space<semaphore_mem>>)
      %dma_wait3A_51 = tpu.memref_slice %arg3[%mul3A_2] : memref<4096xi32, #tpu.memory_space<hbm>> -> memref<128xi32, #tpu.memory_space<hbm>>
      %dma_wait3A_52 = tpu.memref_slice %arg3[%mul3A_2] : memref<4096xi32, #tpu.memory_space<hbm>> -> memref<128xi32, #tpu.memory_space<hbm>>
      tpu.wait_dma2 semaphore(%run_scoped3A : memref<!tpu.dma_semaphore, #tpu.memory_space<semaphore_mem>>) src(%dma_wait3A_52 : memref<128xi32, #tpu.memory_space<hbm>>) dst(%arg6 : memref<128xi32, #tpu.memory_space<vmem>>)
      tpu.yield
    }) : () -> ()
    %dma_start3A = arith.constant 0 : i32
    %dma_start3A_3 = tpu.memref_slice %arg6[%dma_start3A] : memref<128xi32, #tpu.memory_space<vmem>> -> memref<32xi32, #tpu.memory_space<vmem>>
    %dma_start3A_4 = arith.constant 0 : i32
    %dma_start3A_5 = arith.constant 0 : i32
    %dma_start3A_6 = tpu.memref_slice %arg2[%dma_start3A_4, %dma_start3A_5] : memref<2048x1024xf32, #tpu.memory_space<hbm>> -> memref<2048x1024xf32, #tpu.memory_space<hbm>>
    tpu.enqueue_indirect_dma source(%dma_start3A_6 : memref<2048x1024xf32, #tpu.memory_space<hbm>>) target(%arg9 : memref<32x1024xf32, #tpu.memory_space<vmem>>) offsets(%dma_start3A_3 : memref<32xi32, #tpu.memory_space<vmem>>) semaphore(%arg11 : memref<!tpu.dma_semaphore, #tpu.memory_space<semaphore_mem>>)
    %add3A_7 = arith.constant 0 : i32
    %add3A_8 = arith.addi %mul3A_2, %add3A_7 : i32
    "tpu.region"() ({
      %run_scoped3A = tpu.sem_alloc : memref<!tpu.dma_semaphore, #tpu.memory_space<semaphore_mem>>
      %dma_start3A_49 = tpu.memref_slice %arg4[%add3A_8] : memref<4096xi32, #tpu.memory_space<hbm>> -> memref<32xi32, #tpu.memory_space<hbm>>
      %dma_start3A_50 = tpu.memref_slice %arg4[%add3A_8] : memref<4096xi32, #tpu.memory_space<hbm>> -> memref<32xi32, #tpu.memory_space<hbm>>
      tpu.enqueue_dma source(%dma_start3A_50 : memref<32xi32, #tpu.memory_space<hbm>>) target(%arg7 : memref<32xi32, #tpu.memory_space<vmem>>) target_semaphore(%run_scoped3A : memref<!tpu.dma_semaphore, #tpu.memory_space<semaphore_mem>>)
      %dma_wait3A_51 = tpu.memref_slice %arg4[%add3A_8] : memref<4096xi32, #tpu.memory_space<hbm>> -> memref<32xi32, #tpu.memory_space<hbm>>
      %dma_wait3A_52 = tpu.memref_slice %arg4[%add3A_8] : memref<4096xi32, #tpu.memory_space<hbm>> -> memref<32xi32, #tpu.memory_space<hbm>>
      tpu.wait_dma2 semaphore(%run_scoped3A : memref<!tpu.dma_semaphore, #tpu.memory_space<semaphore_mem>>) src(%dma_wait3A_52 : memref<32xi32, #tpu.memory_space<hbm>>) dst(%arg7 : memref<32xi32, #tpu.memory_space<vmem>>)
      tpu.yield
    }) : () -> ()
    %dma_wait3A = arith.constant 0 : i32
    %dma_wait3A_9 = tpu.memref_slice %arg6[%dma_wait3A] : memref<128xi32, #tpu.memory_space<vmem>> -> memref<32xi32, #tpu.memory_space<vmem>>
    %dma_wait3A_10 = arith.constant 0 : i32
    %dma_wait3A_11 = arith.constant 0 : i32
    %dma_wait3A_12 = tpu.memref_slice %arg2[%dma_wait3A_10, %dma_wait3A_11] : memref<2048x1024xf32, #tpu.memory_space<hbm>> -> memref<2048x1024xf32, #tpu.memory_space<hbm>>
    tpu.wait_indirect_dma semaphore(%arg11 : memref<!tpu.dma_semaphore, #tpu.memory_space<semaphore_mem>>) src(%dma_wait3A_12 : memref<2048x1024xf32, #tpu.memory_space<hbm>>) dst(%arg9 : memref<32x1024xf32, #tpu.memory_space<vmem>>)
    %dma_start3A_13 = arith.constant 32 : i32
    %dma_start3A_14 = tpu.memref_slice %arg6[%dma_start3A_13] : memref<128xi32, #tpu.memory_space<vmem>> -> memref<32xi32, #tpu.memory_space<vmem>>
    %dma_start3A_15 = arith.constant 0 : i32
    %dma_start3A_16 = arith.constant 0 : i32
    %dma_start3A_17 = tpu.memref_slice %arg2[%dma_start3A_15, %dma_start3A_16] : memref<2048x1024xf32, #tpu.memory_space<hbm>> -> memref<2048x1024xf32, #tpu.memory_space<hbm>>
    tpu.enqueue_indirect_dma source(%dma_start3A_17 : memref<2048x1024xf32, #tpu.memory_space<hbm>>) target(%arg10 : memref<32x1024xf32, #tpu.memory_space<vmem>>) offsets(%dma_start3A_14 : memref<32xi32, #tpu.memory_space<vmem>>) semaphore(%arg11 : memref<!tpu.dma_semaphore, #tpu.memory_space<semaphore_mem>>)
    "tpu.region"() ({
      %run_scoped3A = tpu.sem_alloc : memref<!tpu.dma_semaphore, #tpu.memory_space<semaphore_mem>>
      %dma_start3A_49 = arith.constant 0 : i32
      %dma_start3A_50 = arith.constant 0 : i32
      %dma_start3A_51 = tpu.memref_slice %arg5[%dma_start3A_49, %dma_start3A_50] : memref<6144x1024xf32, #tpu.memory_space<hbm>> -> memref<6144x1024xf32, #tpu.memory_space<hbm>>
      tpu.enqueue_indirect_dma source(%arg9 : memref<32x1024xf32, #tpu.memory_space<vmem>>) target(%dma_start3A_51 : memref<6144x1024xf32, #tpu.memory_space<hbm>>) offsets(%arg7 : memref<32xi32, #tpu.memory_space<vmem>>) semaphore(%run_scoped3A : memref<!tpu.dma_semaphore, #tpu.memory_space<semaphore_mem>>)
      %dma_wait3A_52 = arith.constant 0 : i32
      %dma_wait3A_53 = arith.constant 0 : i32
      %dma_wait3A_54 = tpu.memref_slice %arg5[%dma_wait3A_52, %dma_wait3A_53] : memref<6144x1024xf32, #tpu.memory_space<hbm>> -> memref<6144x1024xf32, #tpu.memory_space<hbm>>
      tpu.wait_indirect_dma semaphore(%run_scoped3A : memref<!tpu.dma_semaphore, #tpu.memory_space<semaphore_mem>>) src(%arg9 : memref<32x1024xf32, #tpu.memory_space<vmem>>) dst(%dma_wait3A_54 : memref<6144x1024xf32, #tpu.memory_space<hbm>>)
      tpu.yield
    }) : () -> ()
    %add3A_18 = arith.constant 32 : i32
    %add3A_19 = arith.addi %mul3A_2, %add3A_18 : i32
    "tpu.region"() ({
      %run_scoped3A = tpu.sem_alloc : memref<!tpu.dma_semaphore, #tpu.memory_space<semaphore_mem>>
      %dma_start3A_49 = tpu.memref_slice %arg4[%add3A_19] : memref<4096xi32, #tpu.memory_space<hbm>> -> memref<32xi32, #tpu.memory_space<hbm>>
      %dma_start3A_50 = tpu.memref_slice %arg4[%add3A_19] : memref<4096xi32, #tpu.memory_space<hbm>> -> memref<32xi32, #tpu.memory_space<hbm>>
      tpu.enqueue_dma source(%dma_start3A_50 : memref<32xi32, #tpu.memory_space<hbm>>) target(%arg8 : memref<32xi32, #tpu.memory_space<vmem>>) target_semaphore(%run_scoped3A : memref<!tpu.dma_semaphore, #tpu.memory_space<semaphore_mem>>)
      %dma_wait3A_51 = tpu.memref_slice %arg4[%add3A_19] : memref<4096xi32, #tpu.memory_space<hbm>> -> memref<32xi32, #tpu.memory_space<hbm>>
      %dma_wait3A_52 = tpu.memref_slice %arg4[%add3A_19] : memref<4096xi32, #tpu.memory_space<hbm>> -> memref<32xi32, #tpu.memory_space<hbm>>
      tpu.wait_dma2 semaphore(%run_scoped3A : memref<!tpu.dma_semaphore, #tpu.memory_space<semaphore_mem>>) src(%dma_wait3A_52 : memref<32xi32, #tpu.memory_space<hbm>>) dst(%arg8 : memref<32xi32, #tpu.memory_space<vmem>>)
      tpu.yield
    }) : () -> ()
    %dma_wait3A_20 = arith.constant 32 : i32
    %dma_wait3A_21 = tpu.memref_slice %arg6[%dma_wait3A_20] : memref<128xi32, #tpu.memory_space<vmem>> -> memref<32xi32, #tpu.memory_space<vmem>>
    %dma_wait3A_22 = arith.constant 0 : i32
    %dma_wait3A_23 = arith.constant 0 : i32
    %dma_wait3A_24 = tpu.memref_slice %arg2[%dma_wait3A_22, %dma_wait3A_23] : memref<2048x1024xf32, #tpu.memory_space<hbm>> -> memref<2048x1024xf32, #tpu.memory_space<hbm>>
    tpu.wait_indirect_dma semaphore(%arg11 : memref<!tpu.dma_semaphore, #tpu.memory_space<semaphore_mem>>) src(%dma_wait3A_24 : memref<2048x1024xf32, #tpu.memory_space<hbm>>) dst(%arg10 : memref<32x1024xf32, #tpu.memory_space<vmem>>)
    %dma_start3A_25 = arith.constant 64 : i32
    %dma_start3A_26 = tpu.memref_slice %arg6[%dma_start3A_25] : memref<128xi32, #tpu.memory_space<vmem>> -> memref<32xi32, #tpu.memory_space<vmem>>
    %dma_start3A_27 = arith.constant 0 : i32
    %dma_start3A_28 = arith.constant 0 : i32
    %dma_start3A_29 = tpu.memref_slice %arg2[%dma_start3A_27, %dma_start3A_28] : memref<2048x1024xf32, #tpu.memory_space<hbm>> -> memref<2048x1024xf32, #tpu.memory_space<hbm>>
    tpu.enqueue_indirect_dma source(%dma_start3A_29 : memref<2048x1024xf32, #tpu.memory_space<hbm>>) target(%arg9 : memref<32x1024xf32, #tpu.memory_space<vmem>>) offsets(%dma_start3A_26 : memref<32xi32, #tpu.memory_space<vmem>>) semaphore(%arg11 : memref<!tpu.dma_semaphore, #tpu.memory_space<semaphore_mem>>)
    "tpu.region"() ({
      %run_scoped3A = tpu.sem_alloc : memref<!tpu.dma_semaphore, #tpu.memory_space<semaphore_mem>>
      %dma_start3A_49 = arith.constant 0 : i32
      %dma_start3A_50 = arith.constant 0 : i32
      %dma_start3A_51 = tpu.memref_slice %arg5[%dma_start3A_49, %dma_start3A_50] : memref<6144x1024xf32, #tpu.memory_space<hbm>> -> memref<6144x1024xf32, #tpu.memory_space<hbm>>
      tpu.enqueue_indirect_dma source(%arg10 : memref<32x1024xf32, #tpu.memory_space<vmem>>) target(%dma_start3A_51 : memref<6144x1024xf32, #tpu.memory_space<hbm>>) offsets(%arg8 : memref<32xi32, #tpu.memory_space<vmem>>) semaphore(%run_scoped3A : memref<!tpu.dma_semaphore, #tpu.memory_space<semaphore_mem>>)
      %dma_wait3A_52 = arith.constant 0 : i32
      %dma_wait3A_53 = arith.constant 0 : i32
      %dma_wait3A_54 = tpu.memref_slice %arg5[%dma_wait3A_52, %dma_wait3A_53] : memref<6144x1024xf32, #tpu.memory_space<hbm>> -> memref<6144x1024xf32, #tpu.memory_space<hbm>>
      tpu.wait_indirect_dma semaphore(%run_scoped3A : memref<!tpu.dma_semaphore, #tpu.memory_space<semaphore_mem>>) src(%arg10 : memref<32x1024xf32, #tpu.memory_space<vmem>>) dst(%dma_wait3A_54 : memref<6144x1024xf32, #tpu.memory_space<hbm>>)
      tpu.yield
    }) : () -> ()
    %add3A_30 = arith.constant 64 : i32
    %add3A_31 = arith.addi %mul3A_2, %add3A_30 : i32
    "tpu.region"() ({
      %run_scoped3A = tpu.sem_alloc : memref<!tpu.dma_semaphore, #tpu.memory_space<semaphore_mem>>
      %dma_start3A_49 = tpu.memref_slice %arg4[%add3A_31] : memref<4096xi32, #tpu.memory_space<hbm>> -> memref<32xi32, #tpu.memory_space<hbm>>
      %dma_start3A_50 = tpu.memref_slice %arg4[%add3A_31] : memref<4096xi32, #tpu.memory_space<hbm>> -> memref<32xi32, #tpu.memory_space<hbm>>
      tpu.enqueue_dma source(%dma_start3A_50 : memref<32xi32, #tpu.memory_space<hbm>>) target(%arg7 : memref<32xi32, #tpu.memory_space<vmem>>) target_semaphore(%run_scoped3A : memref<!tpu.dma_semaphore, #tpu.memory_space<semaphore_mem>>)
      %dma_wait3A_51 = tpu.memref_slice %arg4[%add3A_31] : memref<4096xi32, #tpu.memory_space<hbm>> -> memref<32xi32, #tpu.memory_space<hbm>>
      %dma_wait3A_52 = tpu.memref_slice %arg4[%add3A_31] : memref<4096xi32, #tpu.memory_space<hbm>> -> memref<32xi32, #tpu.memory_space<hbm>>
      tpu.wait_dma2 semaphore(%run_scoped3A : memref<!tpu.dma_semaphore, #tpu.memory_space<semaphore_mem>>) src(%dma_wait3A_52 : memref<32xi32, #tpu.memory_space<hbm>>) dst(%arg7 : memref<32xi32, #tpu.memory_space<vmem>>)
      tpu.yield
    }) : () -> ()
    %dma_wait3A_32 = arith.constant 64 : i32
    %dma_wait3A_33 = tpu.memref_slice %arg6[%dma_wait3A_32] : memref<128xi32, #tpu.memory_space<vmem>> -> memref<32xi32, #tpu.memory_space<vmem>>
    %dma_wait3A_34 = arith.constant 0 : i32
    %dma_wait3A_35 = arith.constant 0 : i32
    %dma_wait3A_36 = tpu.memref_slice %arg2[%dma_wait3A_34, %dma_wait3A_35] : memref<2048x1024xf32, #tpu.memory_space<hbm>> -> memref<2048x1024xf32, #tpu.memory_space<hbm>>
    tpu.wait_indirect_dma semaphore(%arg11 : memref<!tpu.dma_semaphore, #tpu.memory_space<semaphore_mem>>) src(%dma_wait3A_36 : memref<2048x1024xf32, #tpu.memory_space<hbm>>) dst(%arg9 : memref<32x1024xf32, #tpu.memory_space<vmem>>)
    %dma_start3A_37 = arith.constant 96 : i32
    %dma_start3A_38 = tpu.memref_slice %arg6[%dma_start3A_37] : memref<128xi32, #tpu.memory_space<vmem>> -> memref<32xi32, #tpu.memory_space<vmem>>
    %dma_start3A_39 = arith.constant 0 : i32
    %dma_start3A_40 = arith.constant 0 : i32
    %dma_start3A_41 = tpu.memref_slice %arg2[%dma_start3A_39, %dma_start3A_40] : memref<2048x1024xf32, #tpu.memory_space<hbm>> -> memref<2048x1024xf32, #tpu.memory_space<hbm>>
    tpu.enqueue_indirect_dma source(%dma_start3A_41 : memref<2048x1024xf32, #tpu.memory_space<hbm>>) target(%arg10 : memref<32x1024xf32, #tpu.memory_space<vmem>>) offsets(%dma_start3A_38 : memref<32xi32, #tpu.memory_space<vmem>>) semaphore(%arg11 : memref<!tpu.dma_semaphore, #tpu.memory_space<semaphore_mem>>)
    "tpu.region"() ({
      %run_scoped3A = tpu.sem_alloc : memref<!tpu.dma_semaphore, #tpu.memory_space<semaphore_mem>>
      %dma_start3A_49 = arith.constant 0 : i32
      %dma_start3A_50 = arith.constant 0 : i32
      %dma_start3A_51 = tpu.memref_slice %arg5[%dma_start3A_49, %dma_start3A_50] : memref<6144x1024xf32, #tpu.memory_space<hbm>> -> memref<6144x1024xf32, #tpu.memory_space<hbm>>
      tpu.enqueue_indirect_dma source(%arg9 : memref<32x1024xf32, #tpu.memory_space<vmem>>) target(%dma_start3A_51 : memref<6144x1024xf32, #tpu.memory_space<hbm>>) offsets(%arg7 : memref<32xi32, #tpu.memory_space<vmem>>) semaphore(%run_scoped3A : memref<!tpu.dma_semaphore, #tpu.memory_space<semaphore_mem>>)
      %dma_wait3A_52 = arith.constant 0 : i32
      %dma_wait3A_53 = arith.constant 0 : i32
      %dma_wait3A_54 = tpu.memref_slice %arg5[%dma_wait3A_52, %dma_wait3A_53] : memref<6144x1024xf32, #tpu.memory_space<hbm>> -> memref<6144x1024xf32, #tpu.memory_space<hbm>>
      tpu.wait_indirect_dma semaphore(%run_scoped3A : memref<!tpu.dma_semaphore, #tpu.memory_space<semaphore_mem>>) src(%arg9 : memref<32x1024xf32, #tpu.memory_space<vmem>>) dst(%dma_wait3A_54 : memref<6144x1024xf32, #tpu.memory_space<hbm>>)
      tpu.yield
    }) : () -> ()
    %add3A_42 = arith.constant 96 : i32
    %add3A_43 = arith.addi %mul3A_2, %add3A_42 : i32
    "tpu.region"() ({
      %run_scoped3A = tpu.sem_alloc : memref<!tpu.dma_semaphore, #tpu.memory_space<semaphore_mem>>
      %dma_start3A_49 = tpu.memref_slice %arg4[%add3A_43] : memref<4096xi32, #tpu.memory_space<hbm>> -> memref<32xi32, #tpu.memory_space<hbm>>
      %dma_start3A_50 = tpu.memref_slice %arg4[%add3A_43] : memref<4096xi32, #tpu.memory_space<hbm>> -> memref<32xi32, #tpu.memory_space<hbm>>
      tpu.enqueue_dma source(%dma_start3A_50 : memref<32xi32, #tpu.memory_space<hbm>>) target(%arg8 : memref<32xi32, #tpu.memory_space<vmem>>) target_semaphore(%run_scoped3A : memref<!tpu.dma_semaphore, #tpu.memory_space<semaphore_mem>>)
      %dma_wait3A_51 = tpu.memref_slice %arg4[%add3A_43] : memref<4096xi32, #tpu.memory_space<hbm>> -> memref<32xi32, #tpu.memory_space<hbm>>
      %dma_wait3A_52 = tpu.memref_slice %arg4[%add3A_43] : memref<4096xi32, #tpu.memory_space<hbm>> -> memref<32xi32, #tpu.memory_space<hbm>>
      tpu.wait_dma2 semaphore(%run_scoped3A : memref<!tpu.dma_semaphore, #tpu.memory_space<semaphore_mem>>) src(%dma_wait3A_52 : memref<32xi32, #tpu.memory_space<hbm>>) dst(%arg8 : memref<32xi32, #tpu.memory_space<vmem>>)
      tpu.yield
    }) : () -> ()
    %dma_wait3A_44 = arith.constant 96 : i32
    %dma_wait3A_45 = tpu.memref_slice %arg6[%dma_wait3A_44] : memref<128xi32, #tpu.memory_space<vmem>> -> memref<32xi32, #tpu.memory_space<vmem>>
    %dma_wait3A_46 = arith.constant 0 : i32
    %dma_wait3A_47 = arith.constant 0 : i32
    %dma_wait3A_48 = tpu.memref_slice %arg2[%dma_wait3A_46, %dma_wait3A_47] : memref<2048x1024xf32, #tpu.memory_space<hbm>> -> memref<2048x1024xf32, #tpu.memory_space<hbm>>
    tpu.wait_indirect_dma semaphore(%arg11 : memref<!tpu.dma_semaphore, #tpu.memory_space<semaphore_mem>>) src(%dma_wait3A_48 : memref<2048x1024xf32, #tpu.memory_space<hbm>>) dst(%arg10 : memref<32x1024xf32, #tpu.memory_space<vmem>>)
    "tpu.region"() ({
      %run_scoped3A = tpu.sem_alloc : memref<!tpu.dma_semaphore, #tpu.memory_space<semaphore_mem>>
      %dma_start3A_49 = arith.constant 0 : i32
      %dma_start3A_50 = arith.constant 0 : i32
      %dma_start3A_51 = tpu.memref_slice %arg5[%dma_start3A_49, %dma_start3A_50] : memref<6144x1024xf32, #tpu.memory_space<hbm>> -> memref<6144x1024xf32, #tpu.memory_space<hbm>>
      tpu.enqueue_indirect_dma source(%arg10 : memref<32x1024xf32, #tpu.memory_space<vmem>>) target(%dma_start3A_51 : memref<6144x1024xf32, #tpu.memory_space<hbm>>) offsets(%arg8 : memref<32xi32, #tpu.memory_space<vmem>>) semaphore(%run_scoped3A : memref<!tpu.dma_semaphore, #tpu.memory_space<semaphore_mem>>)
      %dma_wait3A_52 = arith.constant 0 : i32
      %dma_wait3A_53 = arith.constant 0 : i32
      %dma_wait3A_54 = tpu.memref_slice %arg5[%dma_wait3A_52, %dma_wait3A_53] : memref<6144x1024xf32, #tpu.memory_space<hbm>> -> memref<6144x1024xf32, #tpu.memory_space<hbm>>
      tpu.wait_indirect_dma semaphore(%run_scoped3A : memref<!tpu.dma_semaphore, #tpu.memory_space<semaphore_mem>>) src(%arg10 : memref<32x1024xf32, #tpu.memory_space<vmem>>) dst(%dma_wait3A_54 : memref<6144x1024xf32, #tpu.memory_space<hbm>>)
      tpu.yield
    }) : () -> ()
    return
  }
}

module attributes {stable_mosaic.version = 14 : i64} {
  func.func @body(%arg0: i32, %arg1: i32, %arg2: memref<25xi32, #tpu.memory_space<smem>>, %arg3: memref<1x512x1024xf32, #tpu.memory_space<vmem>>, %arg4: memref<1x512x1024xf32, #tpu.memory_space<vmem>>, %arg5: memref<1x1024x512xf32, #tpu.memory_space<vmem>>, %arg6: memref<256x1024xf32, #tpu.memory_space<vmem>>, %arg7: memref<256x1024xf32, #tpu.memory_space<vmem>>, %arg8: memref<6144x1024xbf16, #tpu.memory_space<vmem>>, %arg9: memref<6144x1024xbf16, #tpu.memory_space<vmem>>, %arg10: memref<512x1024xbf16, #tpu.memory_space<vmem>>, %arg11: memref<512x1024xbf16, #tpu.memory_space<vmem>>, %arg12: memref<1024x512xbf16, #tpu.memory_space<vmem>>) attributes {dimension_semantics = [#tpu.dimension_semantics<arbitrary>, #tpu.dimension_semantics<arbitrary>], iteration_bounds = array<i64: 4, 24>, scalar_prefetch = 1 : i64, scratch_operands = 5 : i64, tpu.core_type = #tpu.core_type<tc>, window_params = [{transform_indices = @transform_0, window_bounds = array<i64: 1, 512, 1024>}, {transform_indices = @transform_1, window_bounds = array<i64: 1, 512, 1024>}, {transform_indices = @transform_2, window_bounds = array<i64: 1, 1024, 512>}, {transform_indices = @transform_3, window_bounds = array<i64: 256, 1024>}, {transform_indices = @transform_4, window_bounds = array<i64: 256, 1024>}]} {
    %mul3A = arith.constant 256 : i32
    %mul3A_0 = arith.muli %arg1, %mul3A : i32
    %get3A = arith.constant 24 : index
    %get3A_1 = memref.load %arg2[%get3A] : memref<25xi32, #tpu.memory_space<smem>>
    %lt3A = arith.cmpi slt, %arg1, %get3A_1 : i32
    %convert_element_type3A = arith.extui %lt3A : i1 to i32
    %cond3A = arith.constant 0 : i32
    %cond3A_2 = arith.cmpi ne, %convert_element_type3A, %cond3A : i32
    scf.if %cond3A_2 {
      %eq3A = arith.constant 0 : i32
      %eq3A_3 = arith.cmpi eq, %arg1, %eq3A : i32
      %get3A_4 = arith.index_cast %arg1 : i32 to index
      %get3A_5 = memref.load %arg2[%get3A_4] : memref<25xi32, #tpu.memory_space<smem>>
      %sub3A = arith.constant 1 : i32
      %sub3A_6 = arith.subi %arg1, %sub3A : i32
      %max3A = arith.constant 0 : i32
      %max3A_7 = arith.maxsi %sub3A_6, %max3A : i32
      %get3A_8 = arith.index_cast %max3A_7 : i32 to index
      %get3A_9 = memref.load %arg2[%get3A_8] : memref<25xi32, #tpu.memory_space<smem>>
      %ne3A = arith.cmpi ne, %get3A_5, %get3A_9 : i32
      %or3A = arith.ori %eq3A_3, %ne3A : i1
      %convert_element_type3A_10 = arith.extui %or3A : i1 to i32
      %cond3A_11 = arith.constant 0 : i32
      %cond3A_12 = arith.cmpi ne, %convert_element_type3A_10, %cond3A_11 : i32
      scf.if %cond3A_12 {
        %get3A_29 = arith.constant 0 : index
        %get3A_30 = arith.constant 0 : index
        %get3A_31 = arith.constant 0 : index
        %get3A_32 = vector.load %arg3[%get3A_29, %get3A_30, %get3A_31] : memref<1x512x1024xf32, #tpu.memory_space<vmem>>, vector<1x512x1024xf32>
        %get3A_33 = vector.shape_cast %get3A_32 : vector<1x512x1024xf32> to vector<512x1024xf32>
        %convert_element_type3A_34 = arith.truncf %get3A_33 : vector<512x1024xf32> to vector<512x1024xbf16>
        %swap3A = arith.constant 0 : index
        %swap3A_35 = arith.constant 0 : index
        %swap3A_36 = vector.load %arg10[%swap3A, %swap3A_35] : memref<512x1024xbf16, #tpu.memory_space<vmem>>, vector<512x1024xbf16>
        tpu.vector_store %arg10[%swap3A, %swap3A_35], %convert_element_type3A_34 {strides = array<i32>} : memref<512x1024xbf16, #tpu.memory_space<vmem>>, vector<512x1024xbf16>,
        %get3A_37 = arith.constant 0 : index
        %get3A_38 = arith.constant 0 : index
        %get3A_39 = arith.constant 0 : index
        %get3A_40 = vector.load %arg4[%get3A_37, %get3A_38, %get3A_39] : memref<1x512x1024xf32, #tpu.memory_space<vmem>>, vector<1x512x1024xf32>
        %get3A_41 = vector.shape_cast %get3A_40 : vector<1x512x1024xf32> to vector<512x1024xf32>
        %convert_element_type3A_42 = arith.truncf %get3A_41 : vector<512x1024xf32> to vector<512x1024xbf16>
        %swap3A_43 = arith.constant 0 : index
        %swap3A_44 = arith.constant 0 : index
        %swap3A_45 = vector.load %arg11[%swap3A_43, %swap3A_44] : memref<512x1024xbf16, #tpu.memory_space<vmem>>, vector<512x1024xbf16>
        tpu.vector_store %arg11[%swap3A_43, %swap3A_44], %convert_element_type3A_42 {strides = array<i32>} : memref<512x1024xbf16, #tpu.memory_space<vmem>>, vector<512x1024xbf16>,
        %get3A_46 = arith.constant 0 : index
        %get3A_47 = arith.constant 0 : index
        %get3A_48 = arith.constant 0 : index
        %get3A_49 = vector.load %arg5[%get3A_46, %get3A_47, %get3A_48] : memref<1x1024x512xf32, #tpu.memory_space<vmem>>, vector<1x1024x512xf32>
        %get3A_50 = vector.shape_cast %get3A_49 : vector<1x1024x512xf32> to vector<1024x512xf32>
        %convert_element_type3A_51 = arith.truncf %get3A_50 : vector<1024x512xf32> to vector<1024x512xbf16>
        %swap3A_52 = arith.constant 0 : index
        %swap3A_53 = arith.constant 0 : index
        %swap3A_54 = vector.load %arg12[%swap3A_52, %swap3A_53] : memref<1024x512xbf16, #tpu.memory_space<vmem>>, vector<1024x512xbf16>
        tpu.vector_store %arg12[%swap3A_52, %swap3A_53], %convert_element_type3A_51 {strides = array<i32>} : memref<1024x512xbf16, #tpu.memory_space<vmem>>, vector<1024x512xbf16>,
      } else {
      }
      %eq3A_13 = arith.constant 0 : i32
      %eq3A_14 = arith.cmpi eq, %arg0, %eq3A_13 : i32
      %convert_element_type3A_15 = arith.extui %eq3A_14 : i1 to i32
      %cond3A_16 = arith.constant 0 : i32
      %cond3A_17 = arith.cmpi ne, %convert_element_type3A_15, %cond3A_16 : i32
      scf.if %cond3A_17 {
        %get3A_29 = arith.constant 0 : index
        %get3A_30 = arith.constant 0 : index
        %get3A_31 = vector.load %arg6[%get3A_29, %get3A_30] : memref<256x1024xf32, #tpu.memory_space<vmem>>, vector<256x1024xf32>
        %convert_element_type3A_32 = arith.truncf %get3A_31 : vector<256x1024xf32> to vector<256x1024xbf16>
        %swap3A = arith.index_cast %mul3A_0 : i32 to index
        %swap3A_33 = arith.constant 0 : index
        %swap3A_34 = vector.load %arg8[%swap3A, %swap3A_33] : memref<6144x1024xbf16, #tpu.memory_space<vmem>>, vector<256x1024xbf16>
        tpu.vector_store %arg8[%swap3A, %swap3A_33], %convert_element_type3A_32 {strides = array<i32>} : memref<6144x1024xbf16, #tpu.memory_space<vmem>>, vector<256x1024xbf16>,
        %get3A_35 = arith.constant 0 : index
        %get3A_36 = arith.constant 0 : index
        %get3A_37 = vector.load %arg10[%get3A_35, %get3A_36] : memref<512x1024xbf16, #tpu.memory_space<vmem>>, vector<512x1024xbf16>
        %dot_general3A = arith.constant dense<0.000000e+00> : vector<256x512xf32>
        %dot_general3A_38 = tpu.matmul %convert_element_type3A_32, %get3A_37, %dot_general3A {dimension_numbers = #tpu.dot_dimension_numbers<[1], [1], [0], [0], [0, 0, 1, 0], [], []>, transpose_lhs_hint = false} : vector<256x1024xbf16>, vector<512x1024xbf16>, vector<256x512xf32> -> vector<256x512xf32>
        %get3A_39 = arith.constant 0 : index
        %get3A_40 = arith.constant 0 : index
        %get3A_41 = vector.load %arg11[%get3A_39, %get3A_40] : memref<512x1024xbf16, #tpu.memory_space<vmem>>, vector<512x1024xbf16>
        %dot_general3A_42 = arith.constant dense<0.000000e+00> : vector<256x512xf32>
        %dot_general3A_43 = tpu.matmul %convert_element_type3A_32, %get3A_41, %dot_general3A_42 {dimension_numbers = #tpu.dot_dimension_numbers<[1], [1], [0], [0], [0, 0, 1, 0], [], []>, transpose_lhs_hint = false} : vector<256x1024xbf16>, vector<512x1024xbf16>, vector<256x512xf32> -> vector<256x512xf32>
        %logistic3A = arith.negf %dot_general3A_38 : vector<256x512xf32>
        %logistic3A_44 = math.exp %logistic3A : vector<256x512xf32>
        %logistic3A_45 = arith.constant 1.000000e+00 : f32
        %logistic3A_46 = vector.broadcast %logistic3A_45 : f32 to vector<256x512xf32>
        %logistic3A_47 = arith.addf %logistic3A_46, %logistic3A_44 : vector<256x512xf32>
        %logistic3A_48 = arith.divf %logistic3A_46, %logistic3A_47 : vector<256x512xf32>
        %mul3A_49 = arith.mulf %dot_general3A_38, %logistic3A_48 : vector<256x512xf32>
        %mul3A_50 = arith.mulf %mul3A_49, %dot_general3A_43 : vector<256x512xf32>
        %convert_element_type3A_51 = arith.truncf %mul3A_50 : vector<256x512xf32> to vector<256x512xbf16>
        %get3A_52 = arith.constant 0 : index
        %get3A_53 = arith.constant 0 : index
        %get3A_54 = vector.load %arg12[%get3A_52, %get3A_53] : memref<1024x512xbf16, #tpu.memory_space<vmem>>, vector<1024x512xbf16>
        %dot_general3A_55 = arith.constant dense<0.000000e+00> : vector<256x1024xf32>
        %dot_general3A_56 = tpu.matmul %convert_element_type3A_51, %get3A_54, %dot_general3A_55 {dimension_numbers = #tpu.dot_dimension_numbers<[1], [1], [0], [0], [0, 0, 1, 0], [], []>, transpose_lhs_hint = false} : vector<256x512xbf16>, vector<1024x512xbf16>, vector<256x1024xf32> -> vector<256x1024xf32>
        %convert_element_type3A_57 = arith.truncf %dot_general3A_56 : vector<256x1024xf32> to vector<256x1024xbf16>
        %swap3A_58 = arith.index_cast %mul3A_0 : i32 to index
        %swap3A_59 = arith.constant 0 : index
        %swap3A_60 = vector.load %arg9[%swap3A_58, %swap3A_59] : memref<6144x1024xbf16, #tpu.memory_space<vmem>>, vector<256x1024xbf16>
        tpu.vector_store %arg9[%swap3A_58, %swap3A_59], %convert_element_type3A_57 {strides = array<i32>} : memref<6144x1024xbf16, #tpu.memory_space<vmem>>, vector<256x1024xbf16>,
      } else {
      }
      %gt3A = arith.constant 0 : i32
      %gt3A_18 = arith.cmpi sgt, %arg0, %gt3A : i32
      %lt3A_19 = arith.constant 3 : i32
      %lt3A_20 = arith.cmpi slt, %arg0, %lt3A_19 : i32
      %and3A = arith.andi %gt3A_18, %lt3A_20 : i1
      %convert_element_type3A_21 = arith.extui %and3A : i1 to i32
      %cond3A_22 = arith.constant 0 : i32
      %cond3A_23 = arith.cmpi ne, %convert_element_type3A_21, %cond3A_22 : i32
      scf.if %cond3A_23 {
        %get3A_29 = arith.index_cast %mul3A_0 : i32 to index
        %get3A_30 = arith.constant 0 : index
        %get3A_31 = vector.load %arg8[%get3A_29, %get3A_30] : memref<6144x1024xbf16, #tpu.memory_space<vmem>>, vector<256x1024xbf16>
        %get3A_32 = arith.constant 0 : index
        %get3A_33 = arith.constant 0 : index
        %get3A_34 = vector.load %arg10[%get3A_32, %get3A_33] : memref<512x1024xbf16, #tpu.memory_space<vmem>>, vector<512x1024xbf16>
        %dot_general3A = arith.constant dense<0.000000e+00> : vector<256x512xf32>
        %dot_general3A_35 = tpu.matmul %get3A_31, %get3A_34, %dot_general3A {dimension_numbers = #tpu.dot_dimension_numbers<[1], [1], [0], [0], [0, 0, 1, 0], [], []>, transpose_lhs_hint = false} : vector<256x1024xbf16>, vector<512x1024xbf16>, vector<256x512xf32> -> vector<256x512xf32>
        %get3A_36 = arith.constant 0 : index
        %get3A_37 = arith.constant 0 : index
        %get3A_38 = vector.load %arg11[%get3A_36, %get3A_37] : memref<512x1024xbf16, #tpu.memory_space<vmem>>, vector<512x1024xbf16>
        %dot_general3A_39 = arith.constant dense<0.000000e+00> : vector<256x512xf32>
        %dot_general3A_40 = tpu.matmul %get3A_31, %get3A_38, %dot_general3A_39 {dimension_numbers = #tpu.dot_dimension_numbers<[1], [1], [0], [0], [0, 0, 1, 0], [], []>, transpose_lhs_hint = false} : vector<256x1024xbf16>, vector<512x1024xbf16>, vector<256x512xf32> -> vector<256x512xf32>
        %logistic3A = arith.negf %dot_general3A_35 : vector<256x512xf32>
        %logistic3A_41 = math.exp %logistic3A : vector<256x512xf32>
        %logistic3A_42 = arith.constant 1.000000e+00 : f32
        %logistic3A_43 = vector.broadcast %logistic3A_42 : f32 to vector<256x512xf32>
        %logistic3A_44 = arith.addf %logistic3A_43, %logistic3A_41 : vector<256x512xf32>
        %logistic3A_45 = arith.divf %logistic3A_43, %logistic3A_44 : vector<256x512xf32>
        %mul3A_46 = arith.mulf %dot_general3A_35, %logistic3A_45 : vector<256x512xf32>
        %mul3A_47 = arith.mulf %mul3A_46, %dot_general3A_40 : vector<256x512xf32>
        %convert_element_type3A_48 = arith.truncf %mul3A_47 : vector<256x512xf32> to vector<256x512xbf16>
        %get3A_49 = arith.constant 0 : index
        %get3A_50 = arith.constant 0 : index
        %get3A_51 = vector.load %arg12[%get3A_49, %get3A_50] : memref<1024x512xbf16, #tpu.memory_space<vmem>>, vector<1024x512xbf16>
        %dot_general3A_52 = arith.constant dense<0.000000e+00> : vector<256x1024xf32>
        %dot_general3A_53 = tpu.matmul %convert_element_type3A_48, %get3A_51, %dot_general3A_52 {dimension_numbers = #tpu.dot_dimension_numbers<[1], [1], [0], [0], [0, 0, 1, 0], [], []>, transpose_lhs_hint = false} : vector<256x512xbf16>, vector<1024x512xbf16>, vector<256x1024xf32> -> vector<256x1024xf32>
        %get3A_54 = arith.index_cast %mul3A_0 : i32 to index
        %get3A_55 = arith.constant 0 : index
        %get3A_56 = vector.load %arg9[%get3A_54, %get3A_55] : memref<6144x1024xbf16, #tpu.memory_space<vmem>>, vector<256x1024xbf16>
        %convert_element_type3A_57 = arith.extf %get3A_56 : vector<256x1024xbf16> to vector<256x1024xf32>
        %add3A = arith.addf %convert_element_type3A_57, %dot_general3A_53 : vector<256x1024xf32>
        %convert_element_type3A_58 = arith.truncf %add3A : vector<256x1024xf32> to vector<256x1024xbf16>
        %swap3A = arith.index_cast %mul3A_0 : i32 to index
        %swap3A_59 = arith.constant 0 : index
        %swap3A_60 = vector.load %arg9[%swap3A, %swap3A_59] : memref<6144x1024xbf16, #tpu.memory_space<vmem>>, vector<256x1024xbf16>
        tpu.vector_store %arg9[%swap3A, %swap3A_59], %convert_element_type3A_58 {strides = array<i32>} : memref<6144x1024xbf16, #tpu.memory_space<vmem>>, vector<256x1024xbf16>,
      } else {
      }
      %eq3A_24 = arith.constant 3 : i32
      %eq3A_25 = arith.cmpi eq, %arg0, %eq3A_24 : i32
      %convert_element_type3A_26 = arith.extui %eq3A_25 : i1 to i32
      %cond3A_27 = arith.constant 0 : i32
      %cond3A_28 = arith.cmpi ne, %convert_element_type3A_26, %cond3A_27 : i32
      scf.if %cond3A_28 {
        %get3A_29 = arith.index_cast %mul3A_0 : i32 to index
        %get3A_30 = arith.constant 0 : index
        %get3A_31 = vector.load %arg8[%get3A_29, %get3A_30] : memref<6144x1024xbf16, #tpu.memory_space<vmem>>, vector<256x1024xbf16>
        %get3A_32 = arith.constant 0 : index
        %get3A_33 = arith.constant 0 : index
        %get3A_34 = vector.load %arg10[%get3A_32, %get3A_33] : memref<512x1024xbf16, #tpu.memory_space<vmem>>, vector<512x1024xbf16>
        %dot_general3A = arith.constant dense<0.000000e+00> : vector<256x512xf32>
        %dot_general3A_35 = tpu.matmul %get3A_31, %get3A_34, %dot_general3A {dimension_numbers = #tpu.dot_dimension_numbers<[1], [1], [0], [0], [0, 0, 1, 0], [], []>, transpose_lhs_hint = false} : vector<256x1024xbf16>, vector<512x1024xbf16>, vector<256x512xf32> -> vector<256x512xf32>
        %get3A_36 = arith.constant 0 : index
        %get3A_37 = arith.constant 0 : index
        %get3A_38 = vector.load %arg11[%get3A_36, %get3A_37] : memref<512x1024xbf16, #tpu.memory_space<vmem>>, vector<512x1024xbf16>
        %dot_general3A_39 = arith.constant dense<0.000000e+00> : vector<256x512xf32>
        %dot_general3A_40 = tpu.matmul %get3A_31, %get3A_38, %dot_general3A_39 {dimension_numbers = #tpu.dot_dimension_numbers<[1], [1], [0], [0], [0, 0, 1, 0], [], []>, transpose_lhs_hint = false} : vector<256x1024xbf16>, vector<512x1024xbf16>, vector<256x512xf32> -> vector<256x512xf32>
        %logistic3A = arith.negf %dot_general3A_35 : vector<256x512xf32>
        %logistic3A_41 = math.exp %logistic3A : vector<256x512xf32>
        %logistic3A_42 = arith.constant 1.000000e+00 : f32
        %logistic3A_43 = vector.broadcast %logistic3A_42 : f32 to vector<256x512xf32>
        %logistic3A_44 = arith.addf %logistic3A_43, %logistic3A_41 : vector<256x512xf32>
        %logistic3A_45 = arith.divf %logistic3A_43, %logistic3A_44 : vector<256x512xf32>
        %mul3A_46 = arith.mulf %dot_general3A_35, %logistic3A_45 : vector<256x512xf32>
        %mul3A_47 = arith.mulf %mul3A_46, %dot_general3A_40 : vector<256x512xf32>
        %convert_element_type3A_48 = arith.truncf %mul3A_47 : vector<256x512xf32> to vector<256x512xbf16>
        %get3A_49 = arith.constant 0 : index
        %get3A_50 = arith.constant 0 : index
        %get3A_51 = vector.load %arg12[%get3A_49, %get3A_50] : memref<1024x512xbf16, #tpu.memory_space<vmem>>, vector<1024x512xbf16>
        %dot_general3A_52 = arith.constant dense<0.000000e+00> : vector<256x1024xf32>
        %dot_general3A_53 = tpu.matmul %convert_element_type3A_48, %get3A_51, %dot_general3A_52 {dimension_numbers = #tpu.dot_dimension_numbers<[1], [1], [0], [0], [0, 0, 1, 0], [], []>, transpose_lhs_hint = false} : vector<256x512xbf16>, vector<1024x512xbf16>, vector<256x1024xf32> -> vector<256x1024xf32>
        %get3A_54 = arith.index_cast %mul3A_0 : i32 to index
        %get3A_55 = arith.constant 0 : index
        %get3A_56 = vector.load %arg9[%get3A_54, %get3A_55] : memref<6144x1024xbf16, #tpu.memory_space<vmem>>, vector<256x1024xbf16>
        %convert_element_type3A_57 = arith.extf %get3A_56 : vector<256x1024xbf16> to vector<256x1024xf32>
        %add3A = arith.addf %convert_element_type3A_57, %dot_general3A_53 : vector<256x1024xf32>
        %swap3A = arith.constant 0 : index
        %swap3A_58 = arith.constant 0 : index
        %swap3A_59 = vector.load %arg7[%swap3A, %swap3A_58] : memref<256x1024xf32, #tpu.memory_space<vmem>>, vector<256x1024xf32>
        tpu.vector_store %arg7[%swap3A, %swap3A_58], %add3A {strides = array<i32>} : memref<256x1024xf32, #tpu.memory_space<vmem>>, vector<256x1024xf32>,
      } else {
      }
    } else {
    }
    return
  }
  func.func @transform_0(%arg0: i32, %arg1: i32, %arg2: memref<25xi32, #tpu.memory_space<smem>>) -> (i32, i32, i32) {
    %get3A = arith.index_cast %arg1 : i32 to index
    %get3A_0 = memref.load %arg2[%get3A] : memref<25xi32, #tpu.memory_space<smem>>
    %c0_i32 = arith.constant 0 : i32
    %c0_i32_1 = arith.constant 0 : i32
    return %get3A_0, %arg0, %c0_i32 : i32, i32, i32
  }
  func.func @transform_1(%arg0: i32, %arg1: i32, %arg2: memref<25xi32, #tpu.memory_space<smem>>) -> (i32, i32, i32) {
    %get3A = arith.index_cast %arg1 : i32 to index
    %get3A_0 = memref.load %arg2[%get3A] : memref<25xi32, #tpu.memory_space<smem>>
    %add3A = arith.constant 4 : i32
    %add3A_1 = arith.addi %add3A, %arg0 : i32
    %c0_i32 = arith.constant 0 : i32
    %c0_i32_2 = arith.constant 0 : i32
    return %get3A_0, %add3A_1, %c0_i32 : i32, i32, i32
  }
  func.func @transform_2(%arg0: i32, %arg1: i32, %arg2: memref<25xi32, #tpu.memory_space<smem>>) -> (i32, i32, i32) {
    %get3A = arith.index_cast %arg1 : i32 to index
    %get3A_0 = memref.load %arg2[%get3A] : memref<25xi32, #tpu.memory_space<smem>>
    %c0_i32 = arith.constant 0 : i32
    %c0_i32_1 = arith.constant 0 : i32
    return %get3A_0, %c0_i32, %arg0 : i32, i32, i32
  }
  func.func @transform_3(%arg0: i32, %arg1: i32, %arg2: memref<25xi32, #tpu.memory_space<smem>>) -> (i32, i32) {
    %eq3A = arith.constant 0 : i32
    %eq3A_0 = arith.cmpi eq, %arg0, %eq3A : i32
    %jit3A = arith.constant 0 : i32
    %select_n3A = arith.select %eq3A_0, %arg1, %jit3A : i32
    %c0_i32 = arith.constant 0 : i32
    %c0_i32_1 = arith.constant 0 : i32
    return %select_n3A, %c0_i32 : i32, i32
  }
  func.func @transform_4(%arg0: i32, %arg1: i32, %arg2: memref<25xi32, #tpu.memory_space<smem>>) -> (i32, i32) {
    %eq3A = arith.constant 3 : i32
    %eq3A_0 = arith.cmpi eq, %arg0, %eq3A : i32
    %jit3A = arith.constant 0 : i32
    %select_n3A = arith.select %eq3A_0, %arg1, %jit3A : i32
    %c0_i32 = arith.constant 0 : i32
    %c0_i32_1 = arith.constant 0 : i32
    return %select_n3A, %c0_i32 : i32, i32
  }
}

</mosaic_0001>

<sc_bundles>
// kernel: kernel.5.cloned.1.call-start
scs
__scs_entry_jumppad:
0x0: {  	(pc) =	sbr.rel $0x88, $3  }
0x1: {  	(tag) =	ssettag $0x0;
	lr =	simm.s32 $0x1  }
0x2: {  	[smem:$0x3F9C] =	sst lr;
	_ =	strace $0xD0000000  }
0x3: {  	_ = 	snop  }
0x4: {  	_ = 	snop  }
0x5: {  	_ = 	snop  }
0x6: {  	_ = 	snop  }
0x7: {  	_ = 	snop  }
__scs_overlays_trampoline_lowered:
0x8: {  	[smem:$0x3FAB] =	sst s0  }
0x9: {  	[smem:$0x3FAC] =	sst s1  }
0xa: {  	[smem:$0x3FAD] =	sst s2  }
0xb: {  	[smem:$0x3FAE] =	sst s3  }
0xc: {  	[smem:$0x3FAF] =	sst s4  }
0xd: {  	[smem:$0x3FB0] =	sst s5  }
0xe: {  	[smem:$0x3FB1] =	sst s6  }
0xf: {  	[smem:$0x3FB2] =	sst s7  }
0x10: {  	[smem:$0x3FB3] =	sst s8  }
0x11: {  	[smem:$0x3FB4] =	sst s9;
	s0 =	simm.s32 @!p0 $0x0  }
0x12: {  	s1 =	sld [smem:$0x3F9A];
	s0 =	simm.s32 @p0 $0x1  }
0x13: {  	[smem:$0x3FB5] =	sst s0;
	s0 =	simm.s32 @!p1 $0x0  }
0x14: {  	s2 =	sld [smem:$0x3F99];
	s0 =	simm.s32 @p1 $0x1  }
0x15: {  	[smem:$0x3FB6] =	sst s0;
	s0 =	simm.s32 @!p2 $0x0  }
0x16: {  	s3 =	sld [smem:$0x3FDB];
	s0 =	simm.s32 @p2 $0x1  }
0x17: {  	s4 =	simm.s32 $0x1BF5;
	[smem:$0x3FB8] =	sst s0  }
0x18: {  	s0 =	sld [smem:$0x3F9B];
	_ =	swait.ge [sflag:s4], $0x0  }
0x19: {  	s7 =	sld [smem:$0x3F9C]  }
0x1a: {  	s8 =	sadd.s32 $0xFFFFE003, lr  }
0x1b: {  	s9 =	sadd.s32 $0xFFFFFEF7, lr;
	s5 =	simm.s32 $0xFFFFFFFF;
	p2 =	slt.u32 s8, $0xFFFFF086  }
0x1c: {  	p1 =	slt.u32 s9, $0xF7A;
	s5 =	simm.s32 @!p2 $0x0  }
0x1d: {  	s5 =	simm.s32 @p1 $0x1;
	p0 =	seq.s32 s7, s2  }
0x1e: {  	s7 =	smul.u32 @!p0 $0xF7A, s2;
	p2 =	seq.s32 @!p0 s5, $0x0  }
0x1f: {  	s9 =	smul.u32 $0xF7A, s1;
	s8 =	simm.s32 @!p0 $0x1BF5;
	p2 =	por !p2, p0  }
0x20: {  	[sflag:s8] =	ssyncset.s32 @!p0 $0xFFFFF086;
	s6 =	sadd.s32 @!p0 s3, s7;
	s7 =	simm.s32 @!p0 $0x108  }
0x21: {  	s3 =	sadd.s32 s3, s9;
	s6 =	sadd.s32 @!p0 $0x88, s6;
	s7 =	simm.s32 @p2 $0x1082  }
0x22: {  	[simem:s7], [sflag:s8] =	dma.local @!p0 [hbm:s6], $0xF7A  }
0x23: {  	s9 =	sor.u32 $0xD0000000, s2;
	s6 =	simm.s32 $0x108;
	_ =	swait.ge @!p0 [sflag:s8], $0x0  }
0x24: {  	s3 =	sadd.s32 $0x88, s3;
	s6 =	simm.s32 @!p1 $0x1082;
	[sflag:s4] =	ssyncset.s32 $0xFFFFF086  }
0x25: {  	[simem:s6], [sflag:s4] =	dma.local [hbm:s3], $0xF7A  }
0x26: {  	[smem:$0x3F9C] =	sst s1;
	(tag) =	ssettag s2;
	_ =	strace s9  }
0x27: {  	s1 =	sld [smem:$0x3FAC]  }
0x28: {  	s2 =	sld [smem:$0x3FAD]  }
0x29: {  	s4 =	sld [smem:$0x3FAF]  }
0x2a: {  	p0 =	seq.s32 s5, $0x0;
	s5 =	sld [smem:$0x3FB0]  }
0x2b: {  	s6 =	sld [smem:$0x3FB1]  }
0x2c: {  	s7 =	sld [smem:$0x3FB2]  }
0x2d: {  	s3 =	simm.s32 $0x108;
	s8 =	sld [smem:$0x3FB3]  }
0x2e: {  	s3 =	simm.s32 @!p0 $0x1082;
	s9 =	sld [smem:$0x3FB4]  }
0x2f: {  	lr =	sadd.s32 s0, s3;
	s0 =	sld [smem:$0x3FAB]  }
0x30: {  	s3 =	sld [smem:$0x3FAE]  }
0x31: {  	[smem:$0x3FB7] =	sst s10  }
0x32: {  	s10 =	sld [smem:$0x3FB5];
	_ =	sdelay $0x3  }
0x33: {  	p0 =	seq.s32 s10, $0x1;
	s10 =	sld [smem:$0x3FB7];
	_ =	sdelay $0x3  }
0x34: {  	[smem:$0x3FB7] =	sst s10  }
0x35: {  	s10 =	sld [smem:$0x3FB6];
	_ =	sdelay $0x3  }
0x36: {  	p1 =	seq.s32 s10, $0x1;
	s10 =	sld [smem:$0x3FB7];
	_ =	sdelay $0x3  }
0x37: {  	[smem:$0x3FB7] =	sst s10  }
0x38: {  	s10 =	sld [smem:$0x3FB8]  }
0x39: {  	_ = 	snop;
	(pc) =	sbr.ind lr, $3  }
0x3a: {  	_ = 	snop  }
0x3b: {  	_ = 	snop  }
0x3c: {  	p2 =	seq.s32 s10, $0x1;
	s10 =	sld [smem:$0x3FB7]  }
0x3d: {  	_ =	shalt  }
0x3e: {  	_ =	shalt  }
0x3f: {  	_ =	shalt  }
0x40: {  	_ =	shalt  }
0x41: {  	_ =	shalt  }
0x42: {  	_ =	shalt  }
0x43: {  	_ =	shalt  }
0x44: {  	_ =	shalt  }
0x45: {  	_ =	shalt  }
0x46: {  	_ =	shalt  }
0x47: {  	_ =	shalt  }
0x48: {  	_ =	shalt  }
0x49: {  	_ =	shalt  }
0x4a: {  	_ =	shalt  }
0x4b: {  	_ =	shalt  }
0x4c: {  	_ =	shalt  }
0x4d: {  	_ =	shalt  }
0x4e: {  	_ =	shalt  }
0x4f: {  	_ =	shalt  }
0x50: {  	_ =	shalt  }
0x51: {  	_ =	shalt  }
0x52: {  	_ =	shalt  }
0x53: {  	_ =	shalt  }
0x54: {  	_ =	shalt  }
0x55: {  	_ =	shalt  }
0x56: {  	_ =	shalt  }
0x57: {  	_ =	shalt  }
0x58: {  	_ =	shalt  }
0x59: {  	_ =	shalt  }
0x5a: {  	_ =	shalt  }
0x5b: {  	_ =	shalt  }
0x5c: {  	_ =	shalt  }
0x5d: {  	_ =	shalt  }
0x5e: {  	_ =	shalt  }
0x5f: {  	_ =	shalt  }
0x60: {  	_ =	shalt  }
0x61: {  	_ =	shalt  }
0x62: {  	_ =	shalt  }
0x63: {  	_ =	shalt  }
0x64: {  	_ =	shalt  }
0x65: {  	_ =	shalt  }
0x66: {  	_ =	shalt  }
0x67: {  	_ =	shalt  }
0x68: {  	_ =	shalt  }
0x69: {  	_ =	shalt  }
0x6a: {  	_ =	shalt  }
0x6b: {  	_ =	shalt  }
0x6c: {  	_ =	shalt  }
0x6d: {  	_ =	shalt  }
0x6e: {  	_ =	shalt  }
0x6f: {  	_ =	shalt  }
0x70: {  	_ =	shalt  }
0x71: {  	_ =	shalt  }
0x72: {  	_ =	shalt  }
0x73: {  	_ =	shalt  }
0x74: {  	_ =	shalt  }
0x75: {  	_ =	shalt  }
0x76: {  	_ =	shalt  }
0x77: {  	_ =	shalt  }
0x78: {  	_ =	shalt  }
0x79: {  	_ =	shalt  }
0x7a: {  	_ =	shalt  }
0x7b: {  	_ =	shalt  }
0x7c: {  	_ =	shalt  }
0x7d: {  	_ =	shalt  }
0x7e: {  	_ =	shalt  }
0x7f: {  	_ =	shalt  }
0x80: {  	_ =	shalt  }
0x81: {  	_ =	shalt  }
0x82: {  	_ =	shalt  }
0x83: {  	_ =	shalt  }
0x84: {  	_ =	shalt  }
0x85: {  	_ =	shalt  }
0x86: {  	_ =	shalt  }
0x87: {  	_ =	shalt  }
.Lfunc_end0:
.L_simem_size_0:
called_computation_lowered:
.L_overlay_start_0:
0x88: {  	s2 =	sld [smem:$0x3FD9]  }
0x89: {  	s3 =	sld [smem:$0x3FFE];
	_ =	sdelay $0x1  }
0x8a: {  	s1 =	srdreg.scid  }
0x8b: {  	s0 =	sand.u32 $0x1, s1  }
0x8c: {  	s17 =	sshll.u32 s0, $0xA;
	s2 =	sadd.s32 s3, s2  }
0x8d: {  	s2 =	sadd.s32 s2, s17  }
0x8e: {  	[smem:$0x3FC3] =	sst s2  }
0x8f: {  	_ = 	snop  }
0x90: {  	s2 =	sld [smem:$0x3FC9]  }
0x91: {  	s18 =	sld [smem:$0x3FD0];
	(tm) =	ssettm $0x1  }
0x92: {  	s4 =	sld [smem:$0x3FFB];
	_ =	sdelay $0x3  }
0x93: {  	_ =	strace s4  }
0x94: {  	s4 =	sld [smem:$0x3FFC];
	_ =	sdelay $0x3  }
0x95: {  	_ =	strace s4  }
0x96: {  	s4 =	sld [smem:$0x3FFD];
	_ =	sdelay $0x3  }
0x97: {  	_ =	strace s4  }
0x98: {  	_ =	strace $0x8FFFFFFF  }
0x99: {  	s19 =	sld [smem:$0x3FDB];
	_ =	sdelay $0x1  }
0x9a: {  	s5 =	simm.s32 $_scs_section_size  }
0x9b: {  	s6 =	simm.s32 $_size__tile_overlayer_lowered;
	s7 =	simm.s32 $_tile_overlayer_lowered  }
0x9c: {  	s22 =	simm.s32 $0x1BFF;
	s21 =	sshll.u32 s7, $0x1;
	s4 =	sadd.s32 s5, s19  }
0x9d: {  	s8 =	simm.s32 $0x0;
	s20 =	sshll.u32 s6, $0x1;
	s6 =	sadd.s32 s21, s4  }
0x9e: {  	[timem:s8], [sflag:s22] =	dma.local [hbm:s6], s20  }
0x9f: {  	_ =	swait.ge [sflag:s22], s20  }
0xa0: {  	s5 =	ssub.s32 $0x0, s20;
	[sflag:s22] =	ssyncset.done $0x0  }
0xa1: {  	[sflag:s22] =	ssyncadd.s32 s5;
	_ =	sdelay $0x1  }
0xa2: {  	s23 =	simm.s32 $0x1B8B  }
0xa3: {  	_ =	swait.ge [sflag:s23], $0x1  }
0xa4: {  	[sflag:s23] =	ssyncset.done $0x0  }
0xa5: {  	s25 =	simm.s32 $0x1B8E;
	s24 =	sld [smem:$0x3FFE];
	[sflag:s23] =	ssyncadd.s32 $0xFFFFFFFF  }
0xa6: {  	s26 =	simm.s32 $execute0_lowered;
	[smem:$0x3FD2] =	sst s25  }
0xa7: {  	s6 =	sshll.u32 s26, $0x1;
	_ =	strace $0x80000046;
	[dreg:$0x1] =	wrdreg $0xFFFFFFFF  }
0xa8: {  	s28 =	simm.s32 $_size_execute0_lowered;
	s4 =	sadd.s32 s4, s6;
	[dreg:$0x0] =	wrdreg $0x0  }
0xa9: {  	s6 =	sshll.u32 s28, $0x1;
	[dreg:$0x2] =	wrdreg s4  }
0xaa: {  	[dreg:$0x3] =	wrdreg s6  }
0xab: {  	[dreg:$0x4] =	wrdreg $0xC0  }
0xac: {  	_ =	task [dreg:s8], $0x5FFFF  }
0xad: {  	[dreg:$0x1] =	wrdreg $0xFFFFFFFF  }
0xae: {  	[dreg:$0x0] =	wrdreg $0x60  }
0xaf: {  	[dreg:$0x2] =	wrdreg s2  }
0xb0: {  	[dreg:$0x3] =	wrdreg s24  }
0xb1: {  	[dreg:$0x4] =	wrdreg s18  }
0xb2: {  	[dreg:$0x5] =	wrdreg $0x9  }
0xb3: {  	_ =	task.clear_ibuf [dreg:s8], $0x6FFFF;
	_ =	strace $0x90000046  }
0xb4: {  	s29 =	simm.s32 $0x9;
	_ =	strace $0x80000048  }
0xb5: {  	_ =	swait.ge [sflag:s29], $0x1  }
0xb6: {  	[sflag:s29] =	ssyncadd.s32 $0xFFFFFFFF  }
0xb7: {  	_ =	strace $0x90000048  }
0xb8: {  	_ =	sfence  }
0xb9: {  	s30 =	sld [smem:$0x0];
	_ =	sdelay $0x2  }
0xba: {  	s31 =	sshll.u32 s1, $0xD;
	s1 =	sshrl.u32 s1, $0x2  }
0xbb: {  	s3 =	sand.u32 $0x4000, s31;
	s1 =	sadd.s32 s1, s30  }
0xbc: {  	s0 =	sor.u32 s3, s0;
	s1 =	sshll.u32 s1, $0x11  }
0xbd: {  	s0 =	sor.u32 s1, s0  }
0xbe: {  	s0 =	sadd.s32 $0x8F2B, s0  }
0xbf: {  	[sflag:s0] =	ssyncadd.remote.s32 $0x1  }
0xc0: {  	_ =	sfence.sel $0xFFFF  }
0xc1: {  	[dreg:$0x0] =	wrdreg $0xFFFFFFFF;
	(pc) =	sbr.abs _section_cstart, $3  }
0xc2: {  	[dreg:$0x1] =	wrdreg $0xFFFFFFFF  }
0xc3: {  	_ =	task.clear_ibuf [dreg:s8], $0x2FFFF;
	_ =	strace $0x9FFFFFFF  }
0xc4: {  	(tm) =	ssettm $0x7FFFFFFF  }
0xc5: {  	_ =	shalt  }
tec
execute0_lowered:
.L_overlay_start_1:
0x0: {  	(tag) =	ssettag $0x1  }
0x1: {  	s1 =	rddreg [dreg:$0x0]  }
0x2: {  	s0 =	rddreg [dreg:$0x1]  }
0x3: {  	s2 =	rddreg [dreg:$0x2]  }
0x4: {  	s3 =	simm.s32 $0x0;
	s4 =	srdreg.scid;
	s6 =	stileid.u32  }
0x5: {  	s13 =	simm.s32 $0x2;
	s29 =	simm.s32 $0x1;
	s31 =	simm.s32 $0x1980  }
0x6: {  	[smem:$0x7FF] =	sst s3;
	s4 =	sand.u32 $0x1, s4;
	s6 =	sshll.u32 s6, $0x5  }
0x7: {  	s8 =	sadd.s32 $0x300, s1;
	s5 =	ssub.s32 $0x2, s4;
	s4 =	sshll.u32 s4, $0x4  }
0x8: {  	s9 =	sadd.s32 $0x300, s0;
	s10 =	sadd.s32 $0x400, s0;
	s6 =	sor.u32 s4, s6  }
0x9: {  	s11 =	sadd.s32 $0x500, s0;
	_ =	strace $0x80000047;
	s26 =	sadd.s32 s0, s6  }
0xa: {  	s7 =	sshrl.u32 s5, $0x1;
	s6 =	sadd.s32 s2, s6;
	[dreg:$0x4] =	wrdreg s26  }
0xb: {  	s4 =	sadd.s32 $0x200, s0;
	s2 =	sadd.s32 $0x4, s6;
	[dreg:$0x8] =	wrdreg s6  }
0xc: {  	v2 =	vlaneseq.u32;
	s12 =	ssub.s32 s5, s7;
	s28 =	sadd.s32 $0x8, s6;
	[dreg:$0x5] =	wrdreg s2  }
0xd: {  	vm0 =	vmmov $0xffff;
	v1 =	vshrl.u32 v2, $0x3;
	s5 =	sadd.s32 $0x100, s1;
	s30 =	sadd.s32 $0xC, s6;
	[dreg:$0x6] =	wrdreg s28  }
0xe: {  	v0 =	vand.u32 $0x7, v2;
	v2 =	vor.u32 $0x8, v2;
	v1 =	vmul.u32 $0x8, v1;
	s7 =	sadd.s32 $0x200, s1;
	s12 =	smax.u32 s12, $0x1;
	[dreg:$0x7] =	wrdreg s30  }
.LBB2_1:
0xf: {  	s28 =	rddreg [dreg:$0x4]  }
0x10: {  	[tilespmem:s3], [sflag:$0x2] =	stream.linear.gather [hbm4b:s28+s3], $0x80, $0x38;
	[tilespmem:$0x10180] =	vst v63  }
0x11: {  	_ =	swait.ge [sflag:s13], $0x80  }
0x12: {  	[sflag:s13] =	ssyncset.done $0x0  }
0x13: {  	[sflag:s13] =	ssyncadd.s32 $0xFFFFFF80  }
0x14: {  	v3 =	vld [tilespmem:$0x0];
	_ =	sdelay $0x4  }
0x15: {  	v4 =	vshll.u32 v3, $0x3  }
0x16: {  	v3 =	vand.u32 $0x7, v3;
	v4 =	vand.u32 $0xFFFFFFC0, v4  }
0x17: {  	v3 =	vor.u32 v3, v4  }
0x18: {  	v4 =	vperm.xlane v3, v0;
	_ =	sdelay $0x1  }
0x19: {  	v4 =	vadd.s32 v1, v4;
	_ =	sdelay $0x3  }
0x1a: {  	s0 =	simm.s32 $0x180  }
0x1b: {  	[tilespmem:s0], [sflag:$0x1] =	stream.indirect_vreg.gather [hbm4b:s1+s3], $0x80, v4, vm0, $0xb8;
	[tilespmem:$0x10180] =	vst v63  }
0x1c: {  	s2 =	simm.s32 $0x980;
	v3 =	vperm.xlane v3, v2  }
0x1d: {  	[tilespmem:s2], [sflag:$0x1] =	stream.indirect_vreg.gather [hbm4b:s5+s3], $0x80, v4, vm0, $0xb8;
	[tilespmem:$0x10180] =	vst v63  }
0x1e: {  	s6 =	simm.s32 $0x1180;
	v3 =	vadd.s32 v1, v3  }
0x1f: {  	[tilespmem:s6], [sflag:$0x1] =	stream.indirect_vreg.gather [hbm4b:s7+s3], $0x80, v4, vm0, $0xb8;
	[tilespmem:$0x10180] =	vst v63  }
0x20: {  	_ = 	snop  }
0x21: {  	[tilespmem:s31], [sflag:$0x1] =	stream.indirect_vreg.gather [hbm4b:s8+s3], $0x80, v4, vm0, $0xb8;
	[tilespmem:$0x10180] =	vst v63  }
0x22: {  	s14 =	simm.s32 $0x2180  }
0x23: {  	[tilespmem:s14], [sflag:$0x1] =	stream.indirect_vreg.gather [hbm4b:s1+s3], $0x80, v3, vm0, $0xb8;
	[tilespmem:$0x10180] =	vst v63  }
0x24: {  	s15 =	simm.s32 $0x2980  }
0x25: {  	[tilespmem:s15], [sflag:$0x1] =	stream.indirect_vreg.gather [hbm4b:s5+s3], $0x80, v3, vm0, $0xb8;
	[tilespmem:$0x10180] =	vst v63  }
0x26: {  	s16 =	simm.s32 $0x3180  }
0x27: {  	[tilespmem:s16], [sflag:$0x1] =	stream.indirect_vreg.gather [hbm4b:s7+s3], $0x80, v3, vm0, $0xb8;
	[tilespmem:$0x10180] =	vst v63  }
0x28: {  	s17 =	simm.s32 $0x3980  }
0x29: {  	[tilespmem:s17], [sflag:$0x1] =	stream.indirect_vreg.gather [hbm4b:s8+s3], $0x80, v3, vm0, $0xb8;
	[tilespmem:$0x10180] =	vst v63  }
0x2a: {  	v3 =	vld [tilespmem:$0x10];
	_ =	sdelay $0x4  }
0x2b: {  	v49 =	vshll.u32 v3, $0x3  }
0x2c: {  	v3 =	vand.u32 $0x7, v3;
	v4 =	vand.u32 $0xFFFFFFC0, v49  }
0x2d: {  	v3 =	vor.u32 v3, v4  }
0x2e: {  	v4 =	vperm.xlane v3, v0;
	_ =	sdelay $0x1  }
0x2f: {  	v4 =	vadd.s32 v1, v4;
	_ =	sdelay $0x3  }
0x30: {  	s18 =	simm.s32 $0x4180  }
0x31: {  	[tilespmem:s18], [sflag:$0x1] =	stream.indirect_vreg.gather [hbm4b:s1+s3], $0x80, v4, vm0, $0xb8;
	[tilespmem:$0x10180] =	vst v63  }
0x32: {  	s19 =	simm.s32 $0x4980;
	v3 =	vperm.xlane v3, v2  }
0x33: {  	[tilespmem:s19], [sflag:$0x1] =	stream.indirect_vreg.gather [hbm4b:s5+s3], $0x80, v4, vm0, $0xb8;
	[tilespmem:$0x10180] =	vst v63  }
0x34: {  	s20 =	simm.s32 $0x5180;
	v3 =	vadd.s32 v1, v3  }
0x35: {  	[tilespmem:s20], [sflag:$0x1] =	stream.indirect_vreg.gather [hbm4b:s7+s3], $0x80, v4, vm0, $0xb8;
	[tilespmem:$0x10180] =	vst v63  }
0x36: {  	s21 =	simm.s32 $0x5980  }
0x37: {  	[tilespmem:s21], [sflag:$0x1] =	stream.indirect_vreg.gather [hbm4b:s8+s3], $0x80, v4, vm0, $0xb8;
	[tilespmem:$0x10180] =	vst v63  }
0x38: {  	s22 =	simm.s32 $0x6180  }
0x39: {  	[tilespmem:s22], [sflag:$0x1] =	stream.indirect_vreg.gather [hbm4b:s1+s3], $0x80, v3, vm0, $0xb8;
	[tilespmem:$0x10180] =	vst v63  }
0x3a: {  	s23 =	simm.s32 $0x6980  }
0x3b: {  	[tilespmem:s23], [sflag:$0x1] =	stream.indirect_vreg.gather [hbm4b:s5+s3], $0x80, v3, vm0, $0xb8;
	[tilespmem:$0x10180] =	vst v63  }
0x3c: {  	s24 =	simm.s32 $0x7180  }
0x3d: {  	[tilespmem:s24], [sflag:$0x1] =	stream.indirect_vreg.gather [hbm4b:s7+s3], $0x80, v3, vm0, $0xb8;
	[tilespmem:$0x10180] =	vst v63  }
0x3e: {  	s25 =	simm.s32 $0x7980  }
0x3f: {  	[tilespmem:s25], [sflag:$0x1] =	stream.indirect_vreg.gather [hbm4b:s8+s3], $0x80, v3, vm0, $0xb8;
	[tilespmem:$0x10180] =	vst v63  }
0x40: {  	s30 =	simm.s32 $0x80;
	s26 =	rddreg [dreg:$0x8]  }
0x41: {  	[tilespmem:s30], [sflag:$0x2] =	stream.linear.gather [hbm4b:s26+s3], $0x20, $0x38;
	[tilespmem:$0x10180] =	vst v63  }
0x42: {  	_ =	swait.ge [sflag:s13], $0x20  }
0x43: {  	[sflag:s13] =	ssyncset.done $0x0  }
0x44: {  	[sflag:s13] =	ssyncadd.s32 $0xFFFFFFE0  }
0x45: {  	_ =	swait.ge [sflag:s29], $0x8000  }
0x46: {  	[sflag:s29] =	ssyncset.done $0x0  }
0x47: {  	[sflag:s29] =	ssyncadd.s32 $0xFFFF8000  }
0x48: {  	v3 =	vld [tilespmem:$0x20];
	_ =	sdelay $0x4  }
0x49: {  	v50 =	vshll.u32 v3, $0x3  }
0x4a: {  	v3 =	vand.u32 $0x7, v3;
	v4 =	vand.u32 $0xFFFFFFC0, v50  }
0x4b: {  	v3 =	vor.u32 v3, v4  }
0x4c: {  	v4 =	vperm.xlane v3, v0;
	_ =	sdelay $0x1  }
0x4d: {  	v4 =	vadd.s32 v1, v4;
	_ =	sdelay $0x3  }
0x4e: {  	s25 =	simm.s32 $0x8180  }
0x4f: {  	[tilespmem:s25], [sflag:$0x1] =	stream.indirect_vreg.gather [hbm4b:s1+s3], $0x80, v4, vm0, $0xb8;
	[tilespmem:$0x10180] =	vst v63  }
0x50: {  	s2 =	simm.s32 $0x8980;
	v3 =	vperm.xlane v3, v2  }
0x51: {  	[tilespmem:s2], [sflag:$0x1] =	stream.indirect_vreg.gather [hbm4b:s5+s3], $0x80, v4, vm0, $0xb8;
	[tilespmem:$0x10180] =	vst v63  }
0x52: {  	s6 =	simm.s32 $0x9180;
	v3 =	vadd.s32 v1, v3  }
0x53: {  	[tilespmem:s6], [sflag:$0x1] =	stream.indirect_vreg.gather [hbm4b:s7+s3], $0x80, v4, vm0, $0xb8;
	[tilespmem:$0x10180] =	vst v63  }
0x54: {  	s14 =	simm.s32 $0x9980  }
0x55: {  	[tilespmem:s14], [sflag:$0x1] =	stream.indirect_vreg.gather [hbm4b:s8+s3], $0x80, v4, vm0, $0xb8;
	[tilespmem:$0x10180] =	vst v63  }
0x56: {  	s15 =	simm.s32 $0xA180  }
0x57: {  	[tilespmem:s15], [sflag:$0x1] =	stream.indirect_vreg.gather [hbm4b:s1+s3], $0x80, v3, vm0, $0xb8;
	[tilespmem:$0x10180] =	vst v63  }
0x58: {  	s16 =	simm.s32 $0xA980  }
0x59: {  	[tilespmem:s16], [sflag:$0x1] =	stream.indirect_vreg.gather [hbm4b:s5+s3], $0x80, v3, vm0, $0xb8;
	[tilespmem:$0x10180] =	vst v63  }
0x5a: {  	s17 =	simm.s32 $0xB180  }
0x5b: {  	[tilespmem:s17], [sflag:$0x1] =	stream.indirect_vreg.gather [hbm4b:s7+s3], $0x80, v3, vm0, $0xb8;
	[tilespmem:$0x10180] =	vst v63  }
0x5c: {  	s18 =	simm.s32 $0xB980  }
0x5d: {  	[tilespmem:s18], [sflag:$0x1] =	stream.indirect_vreg.gather [hbm4b:s8+s3], $0x80, v3, vm0, $0xb8;
	[tilespmem:$0x10180] =	vst v63  }
0x5e: {  	v3 =	vld [tilespmem:$0x30];
	_ =	sdelay $0x4  }
0x5f: {  	v51 =	vshll.u32 v3, $0x3  }
0x60: {  	v3 =	vand.u32 $0x7, v3;
	v4 =	vand.u32 $0xFFFFFFC0, v51  }
0x61: {  	v3 =	vor.u32 v3, v4  }
0x62: {  	v4 =	vperm.xlane v3, v0;
	_ =	sdelay $0x1  }
0x63: {  	v4 =	vadd.s32 v1, v4;
	_ =	sdelay $0x3  }
0x64: {  	s19 =	simm.s32 $0xC180  }
0x65: {  	[tilespmem:s19], [sflag:$0x1] =	stream.indirect_vreg.gather [hbm4b:s1+s3], $0x80, v4, vm0, $0xb8;
	[tilespmem:$0x10180] =	vst v63  }
0x66: {  	s20 =	simm.s32 $0xC980;
	v3 =	vperm.xlane v3, v2  }
0x67: {  	[tilespmem:s20], [sflag:$0x1] =	stream.indirect_vreg.gather [hbm4b:s5+s3], $0x80, v4, vm0, $0xb8;
	[tilespmem:$0x10180] =	vst v63  }
0x68: {  	s21 =	simm.s32 $0xD180;
	v3 =	vadd.s32 v1, v3  }
0x69: {  	[tilespmem:s21], [sflag:$0x1] =	stream.indirect_vreg.gather [hbm4b:s7+s3], $0x80, v4, vm0, $0xb8;
	[tilespmem:$0x10180] =	vst v63  }
0x6a: {  	s22 =	simm.s32 $0xD980  }
0x6b: {  	[tilespmem:s22], [sflag:$0x1] =	stream.indirect_vreg.gather [hbm4b:s8+s3], $0x80, v4, vm0, $0xb8;
	[tilespmem:$0x10180] =	vst v63  }
0x6c: {  	s23 =	simm.s32 $0xE180  }
0x6d: {  	[tilespmem:s23], [sflag:$0x1] =	stream.indirect_vreg.gather [hbm4b:s1+s3], $0x80, v3, vm0, $0xb8;
	[tilespmem:$0x10180] =	vst v63  }
0x6e: {  	s24 =	simm.s32 $0xE980  }
0x6f: {  	[tilespmem:s24], [sflag:$0x1] =	stream.indirect_vreg.gather [hbm4b:s5+s3], $0x80, v3, vm0, $0xb8;
	[tilespmem:$0x10180] =	vst v63  }
0x70: {  	s25 =	simm.s32 $0xF180  }
0x71: {  	[tilespmem:s25], [sflag:$0x1] =	stream.indirect_vreg.gather [hbm4b:s7+s3], $0x80, v3, vm0, $0xb8;
	[tilespmem:$0x10180] =	vst v63  }
0x72: {  	s26 =	simm.s32 $0xF980  }
0x73: {  	[tilespmem:s26], [sflag:$0x1] =	stream.indirect_vreg.gather [hbm4b:s8+s3], $0x80, v3, vm0, $0xb8;
	[tilespmem:$0x10180] =	vst v63  }
0x74: {  	v3 =	vld [tilespmem:$0x80];
	_ =	sdelay $0x4  }
0x75: {  	v52 =	vshll.u32 v3, $0x3  }
0x76: {  	v3 =	vand.u32 $0x7, v3;
	v4 =	vand.u32 $0xFFFFFFC0, v52  }
0x77: {  	v3 =	vor.u32 v3, v4  }
0x78: {  	v4 =	vperm.xlane v3, v0;
	_ =	sdelay $0x1  }
0x79: {  	v4 =	vadd.s32 v1, v4;
	_ =	sdelay $0x3  }
0x7a: {  	s22 =	simm.s32 $0x180  }
0x7b: {  	[hbm4b:s4+s3] =	stream.indirect_vreg.scatter [tilespmem:s22], [sflag:$0x2], $0x80, v4, vm0, $0xb8;
	[tilespmem:$0x10180] =	vst v63  }
0x7c: {  	s30 =	simm.s32 $0x980;
	v3 =	vperm.xlane v3, v2  }
0x7d: {  	[hbm4b:s9+s3] =	stream.indirect_vreg.scatter [tilespmem:s30], [sflag:$0x2], $0x80, v4, vm0, $0xb8;
	[tilespmem:$0x10180] =	vst v63  }
0x7e: {  	s2 =	simm.s32 $0x1180;
	v3 =	vadd.s32 v1, v3  }
0x7f: {  	[hbm4b:s10+s3] =	stream.indirect_vreg.scatter [tilespmem:s2], [sflag:$0x2], $0x80, v4, vm0, $0xb8;
	[tilespmem:$0x10180] =	vst v63  }
0x80: {  	_ = 	snop  }
0x81: {  	[hbm4b:s11+s3] =	stream.indirect_vreg.scatter [tilespmem:s31], [sflag:$0x2], $0x80, v4, vm0, $0xb8;
	[tilespmem:$0x10180] =	vst v63  }
0x82: {  	s6 =	simm.s32 $0x2180  }
0x83: {  	[hbm4b:s4+s3] =	stream.indirect_vreg.scatter [tilespmem:s6], [sflag:$0x2], $0x80, v3, vm0, $0xb8;
	[tilespmem:$0x10180] =	vst v63  }
0x84: {  	s14 =	simm.s32 $0x2980  }
0x85: {  	[hbm4b:s9+s3] =	stream.indirect_vreg.scatter [tilespmem:s14], [sflag:$0x2], $0x80, v3, vm0, $0xb8;
	[tilespmem:$0x10180] =	vst v63  }
0x86: {  	s15 =	simm.s32 $0x3180  }
0x87: {  	[hbm4b:s10+s3] =	stream.indirect_vreg.scatter [tilespmem:s15], [sflag:$0x2], $0x80, v3, vm0, $0xb8;
	[tilespmem:$0x10180] =	vst v63  }
0x88: {  	s23 =	simm.s32 $0x3980  }
0x89: {  	[hbm4b:s11+s3] =	stream.indirect_vreg.scatter [tilespmem:s23], [sflag:$0x2], $0x80, v3, vm0, $0xb8;
	[tilespmem:$0x10180] =	vst v63  }
0x8a: {  	v3 =	vld [tilespmem:$0x90];
	_ =	sdelay $0x4  }
0x8b: {  	v53 =	vshll.u32 v3, $0x3  }
0x8c: {  	v3 =	vand.u32 $0x7, v3;
	v4 =	vand.u32 $0xFFFFFFC0, v53  }
0x8d: {  	v3 =	vor.u32 v3, v4  }
0x8e: {  	v4 =	vperm.xlane v3, v0;
	_ =	sdelay $0x1  }
0x8f: {  	v4 =	vadd.s32 v1, v4;
	_ =	sdelay $0x3  }
0x90: {  	s24 =	simm.s32 $0x4180  }
0x91: {  	[hbm4b:s4+s3] =	stream.indirect_vreg.scatter [tilespmem:s24], [sflag:$0x2], $0x80, v4, vm0, $0xb8;
	[tilespmem:$0x10180] =	vst v63  }
0x92: {  	s25 =	simm.s32 $0x4980;
	v3 =	vperm.xlane v3, v2  }
0x93: {  	[hbm4b:s9+s3] =	stream.indirect_vreg.scatter [tilespmem:s25], [sflag:$0x2], $0x80, v4, vm0, $0xb8;
	[tilespmem:$0x10180] =	vst v63  }
0x94: {  	s16 =	simm.s32 $0x5180;
	v3 =	vadd.s32 v1, v3  }
0x95: {  	[hbm4b:s10+s3] =	stream.indirect_vreg.scatter [tilespmem:s16], [sflag:$0x2], $0x80, v4, vm0, $0xb8;
	[tilespmem:$0x10180] =	vst v63  }
0x96: {  	s17 =	simm.s32 $0x5980  }
0x97: {  	[hbm4b:s11+s3] =	stream.indirect_vreg.scatter [tilespmem:s17], [sflag:$0x2], $0x80, v4, vm0, $0xb8;
	[tilespmem:$0x10180] =	vst v63  }
0x98: {  	s18 =	simm.s32 $0x6180  }
0x99: {  	[hbm4b:s4+s3] =	stream.indirect_vreg.scatter [tilespmem:s18], [sflag:$0x2], $0x80, v3, vm0, $0xb8;
	[tilespmem:$0x10180] =	vst v63  }
0x9a: {  	s19 =	simm.s32 $0x6980  }
0x9b: {  	[hbm4b:s9+s3] =	stream.indirect_vreg.scatter [tilespmem:s19], [sflag:$0x2], $0x80, v3, vm0, $0xb8;
	[tilespmem:$0x10180] =	vst v63  }
0x9c: {  	s20 =	simm.s32 $0x7180  }
0x9d: {  	[hbm4b:s10+s3] =	stream.indirect_vreg.scatter [tilespmem:s20], [sflag:$0x2], $0x80, v3, vm0, $0xb8;
	[tilespmem:$0x10180] =	vst v63  }
0x9e: {  	s21 =	simm.s32 $0x7980  }
0x9f: {  	[hbm4b:s11+s3] =	stream.indirect_vreg.scatter [tilespmem:s21], [sflag:$0x2], $0x80, v3, vm0, $0xb8;
	[tilespmem:$0x10180] =	vst v63  }
0xa0: {  	_ =	swait.ge [sflag:s13], $0x8000  }
0xa1: {  	[sflag:s13] =	ssyncset.done $0x0  }
0xa2: {  	s26 =	simm.s32 $0x100;
	s28 =	rddreg [dreg:$0x5];
	[sflag:s13] =	ssyncadd.s32 $0xFFFF8000  }
0xa3: {  	[tilespmem:s26], [sflag:$0x2] =	stream.linear.gather [hbm4b:s28+s3], $0x20, $0x38;
	[tilespmem:$0x10180] =	vst v63  }
0xa4: {  	_ =	swait.ge [sflag:s13], $0x20  }
0xa5: {  	[sflag:s13] =	ssyncset.done $0x0  }
0xa6: {  	[sflag:s13] =	ssyncadd.s32 $0xFFFFFFE0  }
0xa7: {  	_ =	swait.ge [sflag:s29], $0x8000  }
0xa8: {  	[sflag:s29] =	ssyncset.done $0x0  }
0xa9: {  	[sflag:s29] =	ssyncadd.s32 $0xFFFF8000  }
0xaa: {  	v3 =	vld [tilespmem:$0x40];
	_ =	sdelay $0x4  }
0xab: {  	v54 =	vshll.u32 v3, $0x3  }
0xac: {  	v3 =	vand.u32 $0x7, v3;
	v4 =	vand.u32 $0xFFFFFFC0, v54  }
0xad: {  	v3 =	vor.u32 v3, v4  }
0xae: {  	v4 =	vperm.xlane v3, v0;
	_ =	sdelay $0x1  }
0xaf: {  	v4 =	vadd.s32 v1, v4;
	_ =	sdelay $0x4  }
0xb0: {  	[tilespmem:s22], [sflag:$0x1] =	stream.indirect_vreg.gather [hbm4b:s1+s3], $0x80, v4, vm0, $0xb8;
	[tilespmem:$0x10180] =	vst v63  }
0xb1: {  	v3 =	vperm.xlane v3, v2  }
0xb2: {  	[tilespmem:s30], [sflag:$0x1] =	stream.indirect_vreg.gather [hbm4b:s5+s3], $0x80, v4, vm0, $0xb8;
	[tilespmem:$0x10180] =	vst v63  }
0xb3: {  	v3 =	vadd.s32 v1, v3  }
0xb4: {  	[tilespmem:s2], [sflag:$0x1] =	stream.indirect_vreg.gather [hbm4b:s7+s3], $0x80, v4, vm0, $0xb8;
	[tilespmem:$0x10180] =	vst v63  }
0xb5: {  	_ = 	snop  }
0xb6: {  	[tilespmem:s31], [sflag:$0x1] =	stream.indirect_vreg.gather [hbm4b:s8+s3], $0x80, v4, vm0, $0xb8;
	[tilespmem:$0x10180] =	vst v63  }
0xb7: {  	_ = 	snop  }
0xb8: {  	[tilespmem:s6], [sflag:$0x1] =	stream.indirect_vreg.gather [hbm4b:s1+s3], $0x80, v3, vm0, $0xb8;
	[tilespmem:$0x10180] =	vst v63  }
0xb9: {  	_ = 	snop  }
0xba: {  	[tilespmem:s14], [sflag:$0x1] =	stream.indirect_vreg.gather [hbm4b:s5+s3], $0x80, v3, vm0, $0xb8;
	[tilespmem:$0x10180] =	vst v63  }
0xbb: {  	_ = 	snop  }
0xbc: {  	[tilespmem:s15], [sflag:$0x1] =	stream.indirect_vreg.gather [hbm4b:s7+s3], $0x80, v3, vm0, $0xb8;
	[tilespmem:$0x10180] =	vst v63  }
0xbd: {  	_ = 	snop  }
0xbe: {  	[tilespmem:s23], [sflag:$0x1] =	stream.indirect_vreg.gather [hbm4b:s8+s3], $0x80, v3, vm0, $0xb8;
	[tilespmem:$0x10180] =	vst v63  }
0xbf: {  	v3 =	vld [tilespmem:$0x50];
	_ =	sdelay $0x4  }
0xc0: {  	v55 =	vshll.u32 v3, $0x3  }
0xc1: {  	v3 =	vand.u32 $0x7, v3;
	v4 =	vand.u32 $0xFFFFFFC0, v55  }
0xc2: {  	v3 =	vor.u32 v3, v4  }
0xc3: {  	v4 =	vperm.xlane v3, v0;
	_ =	sdelay $0x1  }
0xc4: {  	v4 =	vadd.s32 v1, v4;
	_ =	sdelay $0x4  }
0xc5: {  	[tilespmem:s24], [sflag:$0x1] =	stream.indirect_vreg.gather [hbm4b:s1+s3], $0x80, v4, vm0, $0xb8;
	[tilespmem:$0x10180] =	vst v63  }
0xc6: {  	v3 =	vperm.xlane v3, v2  }
0xc7: {  	[tilespmem:s25], [sflag:$0x1] =	stream.indirect_vreg.gather [hbm4b:s5+s3], $0x80, v4, vm0, $0xb8;
	[tilespmem:$0x10180] =	vst v63  }
0xc8: {  	v3 =	vadd.s32 v1, v3  }
0xc9: {  	[tilespmem:s16], [sflag:$0x1] =	stream.indirect_vreg.gather [hbm4b:s7+s3], $0x80, v4, vm0, $0xb8;
	[tilespmem:$0x10180] =	vst v63  }
0xca: {  	_ = 	snop  }
0xcb: {  	[tilespmem:s17], [sflag:$0x1] =	stream.indirect_vreg.gather [hbm4b:s8+s3], $0x80, v4, vm0, $0xb8;
	[tilespmem:$0x10180] =	vst v63  }
0xcc: {  	_ = 	snop  }
0xcd: {  	[tilespmem:s18], [sflag:$0x1] =	stream.indirect_vreg.gather [hbm4b:s1+s3], $0x80, v3, vm0, $0xb8;
	[tilespmem:$0x10180] =	vst v63  }
0xce: {  	_ = 	snop  }
0xcf: {  	[tilespmem:s19], [sflag:$0x1] =	stream.indirect_vreg.gather [hbm4b:s5+s3], $0x80, v3, vm0, $0xb8;
	[tilespmem:$0x10180] =	vst v63  }
0xd0: {  	_ = 	snop  }
0xd1: {  	[tilespmem:s20], [sflag:$0x1] =	stream.indirect_vreg.gather [hbm4b:s7+s3], $0x80, v3, vm0, $0xb8;
	[tilespmem:$0x10180] =	vst v63  }
0xd2: {  	_ = 	snop  }
0xd3: {  	[tilespmem:s21], [sflag:$0x1] =	stream.indirect_vreg.gather [hbm4b:s8+s3], $0x80, v3, vm0, $0xb8;
	[tilespmem:$0x10180] =	vst v63  }
0xd4: {  	v3 =	vld [tilespmem:$0x100];
	_ =	sdelay $0x4  }
0xd5: {  	v56 =	vshll.u32 v3, $0x3  }
0xd6: {  	v3 =	vand.u32 $0x7, v3;
	v4 =	vand.u32 $0xFFFFFFC0, v56  }
0xd7: {  	v3 =	vor.u32 v3, v4  }
0xd8: {  	v4 =	vperm.xlane v3, v0;
	_ =	sdelay $0x1  }
0xd9: {  	v4 =	vadd.s32 v1, v4;
	_ =	sdelay $0x3  }
0xda: {  	s23 =	simm.s32 $0x8180  }
0xdb: {  	[hbm4b:s4+s3] =	stream.indirect_vreg.scatter [tilespmem:s23], [sflag:$0x2], $0x80, v4, vm0, $0xb8;
	[tilespmem:$0x10180] =	vst v63  }
0xdc: {  	s0 =	simm.s32 $0x8980;
	v3 =	vperm.xlane v3, v2  }
0xdd: {  	[hbm4b:s9+s3] =	stream.indirect_vreg.scatter [tilespmem:s0], [sflag:$0x2], $0x80, v4, vm0, $0xb8;
	[tilespmem:$0x10180] =	vst v63  }
0xde: {  	s25 =	simm.s32 $0x9180;
	v3 =	vadd.s32 v1, v3  }
0xdf: {  	[hbm4b:s10+s3] =	stream.indirect_vreg.scatter [tilespmem:s25], [sflag:$0x2], $0x80, v4, vm0, $0xb8;
	[tilespmem:$0x10180] =	vst v63  }
0xe0: {  	s26 =	simm.s32 $0x9980  }
0xe1: {  	[hbm4b:s11+s3] =	stream.indirect_vreg.scatter [tilespmem:s26], [sflag:$0x2], $0x80, v4, vm0, $0xb8;
	[tilespmem:$0x10180] =	vst v63  }
0xe2: {  	s0 =	simm.s32 $0xA180  }
0xe3: {  	[hbm4b:s4+s3] =	stream.indirect_vreg.scatter [tilespmem:s0], [sflag:$0x2], $0x80, v3, vm0, $0xb8;
	[tilespmem:$0x10180] =	vst v63  }
0xe4: {  	s2 =	simm.s32 $0xA980  }
0xe5: {  	[hbm4b:s9+s3] =	stream.indirect_vreg.scatter [tilespmem:s2], [sflag:$0x2], $0x80, v3, vm0, $0xb8;
	[tilespmem:$0x10180] =	vst v63  }
0xe6: {  	s6 =	simm.s32 $0xB180  }
0xe7: {  	[hbm4b:s10+s3] =	stream.indirect_vreg.scatter [tilespmem:s6], [sflag:$0x2], $0x80, v3, vm0, $0xb8;
	[tilespmem:$0x10180] =	vst v63  }
0xe8: {  	s19 =	simm.s32 $0xB980  }
0xe9: {  	[hbm4b:s11+s3] =	stream.indirect_vreg.scatter [tilespmem:s19], [sflag:$0x2], $0x80, v3, vm0, $0xb8;
	[tilespmem:$0x10180] =	vst v63  }
0xea: {  	v3 =	vld [tilespmem:$0x110];
	_ =	sdelay $0x4  }
0xeb: {  	v57 =	vshll.u32 v3, $0x3  }
0xec: {  	v3 =	vand.u32 $0x7, v3;
	v4 =	vand.u32 $0xFFFFFFC0, v57  }
0xed: {  	v3 =	vor.u32 v3, v4  }
0xee: {  	v4 =	vperm.xlane v3, v0;
	_ =	sdelay $0x1  }
0xef: {  	v4 =	vadd.s32 v1, v4;
	_ =	sdelay $0x3  }
0xf0: {  	s20 =	simm.s32 $0xC180  }
0xf1: {  	[hbm4b:s4+s3] =	stream.indirect_vreg.scatter [tilespmem:s20], [sflag:$0x2], $0x80, v4, vm0, $0xb8;
	[tilespmem:$0x10180] =	vst v63  }
0xf2: {  	s21 =	simm.s32 $0xC980;
	v3 =	vperm.xlane v3, v2  }
0xf3: {  	[hbm4b:s9+s3] =	stream.indirect_vreg.scatter [tilespmem:s21], [sflag:$0x2], $0x80, v4, vm0, $0xb8;
	[tilespmem:$0x10180] =	vst v63  }
0xf4: {  	s14 =	simm.s32 $0xD180;
	v3 =	vadd.s32 v1, v3  }
0xf5: {  	[hbm4b:s10+s3] =	stream.indirect_vreg.scatter [tilespmem:s14], [sflag:$0x2], $0x80, v4, vm0, $0xb8;
	[tilespmem:$0x10180] =	vst v63  }
0xf6: {  	s15 =	simm.s32 $0xD980  }
0xf7: {  	[hbm4b:s11+s3] =	stream.indirect_vreg.scatter [tilespmem:s15], [sflag:$0x2], $0x80, v4, vm0, $0xb8;
	[tilespmem:$0x10180] =	vst v63  }
0xf8: {  	s16 =	simm.s32 $0xE180  }
0xf9: {  	[hbm4b:s4+s3] =	stream.indirect_vreg.scatter [tilespmem:s16], [sflag:$0x2], $0x80, v3, vm0, $0xb8;
	[tilespmem:$0x10180] =	vst v63  }
0xfa: {  	s17 =	simm.s32 $0xE980  }
0xfb: {  	[hbm4b:s9+s3] =	stream.indirect_vreg.scatter [tilespmem:s17], [sflag:$0x2], $0x80, v3, vm0, $0xb8;
	[tilespmem:$0x10180] =	vst v63  }
0xfc: {  	s18 =	simm.s32 $0xF180  }
0xfd: {  	[hbm4b:s10+s3] =	stream.indirect_vreg.scatter [tilespmem:s18], [sflag:$0x2], $0x80, v3, vm0, $0xb8;
	[tilespmem:$0x10180] =	vst v63  }
0xfe: {  	s22 =	simm.s32 $0xF980  }
0xff: {  	[hbm4b:s11+s3] =	stream.indirect_vreg.scatter [tilespmem:s22], [sflag:$0x2], $0x80, v3, vm0, $0xb8;
	[tilespmem:$0x10180] =	vst v63  }
0x100: {  	_ =	swait.ge [sflag:s13], $0x8000  }
0x101: {  	[sflag:s13] =	ssyncset.done $0x0  }
0x102: {  	s30 =	simm.s32 $0x80;
	s28 =	rddreg [dreg:$0x6];
	[sflag:s13] =	ssyncadd.s32 $0xFFFF8000  }
0x103: {  	[tilespmem:s30], [sflag:$0x2] =	stream.linear.gather [hbm4b:s28+s3], $0x20, $0x38;
	[tilespmem:$0x10180] =	vst v63  }
0x104: {  	_ =	swait.ge [sflag:s13], $0x20  }
0x105: {  	[sflag:s13] =	ssyncset.done $0x0  }
0x106: {  	[sflag:s13] =	ssyncadd.s32 $0xFFFFFFE0  }
0x107: {  	_ =	swait.ge [sflag:s29], $0x8000  }
0x108: {  	[sflag:s29] =	ssyncset.done $0x0  }
0x109: {  	[sflag:s29] =	ssyncadd.s32 $0xFFFF8000  }
0x10a: {  	v3 =	vld [tilespmem:$0x60];
	_ =	sdelay $0x4  }
0x10b: {  	v58 =	vshll.u32 v3, $0x3  }
0x10c: {  	v3 =	vand.u32 $0x7, v3;
	v4 =	vand.u32 $0xFFFFFFC0, v58  }
0x10d: {  	v3 =	vor.u32 v3, v4  }
0x10e: {  	v4 =	vperm.xlane v3, v0;
	_ =	sdelay $0x1  }
0x10f: {  	v4 =	vadd.s32 v1, v4;
	_ =	sdelay $0x4  }
0x110: {  	[tilespmem:s23], [sflag:$0x1] =	stream.indirect_vreg.gather [hbm4b:s1+s3], $0x80, v4, vm0, $0xb8;
	[tilespmem:$0x10180] =	vst v63  }
0x111: {  	s24 =	simm.s32 $0x8980;
	v3 =	vperm.xlane v3, v2  }
0x112: {  	[tilespmem:s24], [sflag:$0x1] =	stream.indirect_vreg.gather [hbm4b:s5+s3], $0x80, v4, vm0, $0xb8;
	[tilespmem:$0x10180] =	vst v63  }
0x113: {  	v3 =	vadd.s32 v1, v3  }
0x114: {  	[tilespmem:s25], [sflag:$0x1] =	stream.indirect_vreg.gather [hbm4b:s7+s3], $0x80, v4, vm0, $0xb8;
	[tilespmem:$0x10180] =	vst v63  }
0x115: {  	_ = 	snop  }
0x116: {  	[tilespmem:s26], [sflag:$0x1] =	stream.indirect_vreg.gather [hbm4b:s8+s3], $0x80, v4, vm0, $0xb8;
	[tilespmem:$0x10180] =	vst v63  }
0x117: {  	_ = 	snop  }
0x118: {  	[tilespmem:s0], [sflag:$0x1] =	stream.indirect_vreg.gather [hbm4b:s1+s3], $0x80, v3, vm0, $0xb8;
	[tilespmem:$0x10180] =	vst v63  }
0x119: {  	_ = 	snop  }
0x11a: {  	[tilespmem:s2], [sflag:$0x1] =	stream.indirect_vreg.gather [hbm4b:s5+s3], $0x80, v3, vm0, $0xb8;
	[tilespmem:$0x10180] =	vst v63  }
0x11b: {  	_ = 	snop  }
0x11c: {  	[tilespmem:s6], [sflag:$0x1] =	stream.indirect_vreg.gather [hbm4b:s7+s3], $0x80, v3, vm0, $0xb8;
	[tilespmem:$0x10180] =	vst v63  }
0x11d: {  	_ = 	snop  }
0x11e: {  	[tilespmem:s19], [sflag:$0x1] =	stream.indirect_vreg.gather [hbm4b:s8+s3], $0x80, v3, vm0, $0xb8;
	[tilespmem:$0x10180] =	vst v63  }
0x11f: {  	v3 =	vld [tilespmem:$0x70];
	_ =	sdelay $0x4  }
0x120: {  	v59 =	vshll.u32 v3, $0x3  }
0x121: {  	v3 =	vand.u32 $0x7, v3;
	v4 =	vand.u32 $0xFFFFFFC0, v59  }
0x122: {  	v3 =	vor.u32 v3, v4  }
0x123: {  	v4 =	vperm.xlane v3, v0;
	_ =	sdelay $0x1  }
0x124: {  	v4 =	vadd.s32 v1, v4;
	_ =	sdelay $0x4  }
0x125: {  	[tilespmem:s20], [sflag:$0x1] =	stream.indirect_vreg.gather [hbm4b:s1+s3], $0x80, v4, vm0, $0xb8;
	[tilespmem:$0x10180] =	vst v63  }
0x126: {  	v3 =	vperm.xlane v3, v2  }
0x127: {  	[tilespmem:s21], [sflag:$0x1] =	stream.indirect_vreg.gather [hbm4b:s5+s3], $0x80, v4, vm0, $0xb8;
	[tilespmem:$0x10180] =	vst v63  }
0x128: {  	v3 =	vadd.s32 v1, v3  }
0x129: {  	[tilespmem:s14], [sflag:$0x1] =	stream.indirect_vreg.gather [hbm4b:s7+s3], $0x80, v4, vm0, $0xb8;
	[tilespmem:$0x10180] =	vst v63  }
0x12a: {  	_ = 	snop  }
0x12b: {  	[tilespmem:s15], [sflag:$0x1] =	stream.indirect_vreg.gather [hbm4b:s8+s3], $0x80, v4, vm0, $0xb8;
	[tilespmem:$0x10180] =	vst v63  }
0x12c: {  	_ = 	snop  }
0x12d: {  	[tilespmem:s16], [sflag:$0x1] =	stream.indirect_vreg.gather [hbm4b:s1+s3], $0x80, v3, vm0, $0xb8;
	[tilespmem:$0x10180] =	vst v63  }
0x12e: {  	_ = 	snop  }
0x12f: {  	[tilespmem:s17], [sflag:$0x1] =	stream.indirect_vreg.gather [hbm4b:s5+s3], $0x80, v3, vm0, $0xb8;
	[tilespmem:$0x10180] =	vst v63  }
0x130: {  	_ = 	snop  }
0x131: {  	[tilespmem:s18], [sflag:$0x1] =	stream.indirect_vreg.gather [hbm4b:s7+s3], $0x80, v3, vm0, $0xb8;
	[tilespmem:$0x10180] =	vst v63  }
0x132: {  	_ = 	snop  }
0x133: {  	[tilespmem:s22], [sflag:$0x1] =	stream.indirect_vreg.gather [hbm4b:s8+s3], $0x80, v3, vm0, $0xb8;
	[tilespmem:$0x10180] =	vst v63  }
0x134: {  	v3 =	vld [tilespmem:$0x80];
	_ =	sdelay $0x4  }
0x135: {  	v60 =	vshll.u32 v3, $0x3  }
0x136: {  	v3 =	vand.u32 $0x7, v3;
	v4 =	vand.u32 $0xFFFFFFC0, v60  }
0x137: {  	v3 =	vor.u32 v3, v4  }
0x138: {  	v4 =	vperm.xlane v3, v0;
	_ =	sdelay $0x1  }
0x139: {  	v4 =	vadd.s32 v1, v4;
	_ =	sdelay $0x3  }
0x13a: {  	s28 =	simm.s32 $0x180  }
0x13b: {  	[hbm4b:s4+s3] =	stream.indirect_vreg.scatter [tilespmem:s28], [sflag:$0x2], $0x80, v4, vm0, $0xb8;
	[tilespmem:$0x10180] =	vst v63  }
0x13c: {  	s22 =	simm.s32 $0x980;
	v3 =	vperm.xlane v3, v2  }
0x13d: {  	[hbm4b:s9+s3] =	stream.indirect_vreg.scatter [tilespmem:s22], [sflag:$0x2], $0x80, v4, vm0, $0xb8;
	[tilespmem:$0x10180] =	vst v63  }
0x13e: {  	v3 =	vadd.s32 v1, v3;
	s28 =	simm.s32 $0x1180  }
0x13f: {  	[hbm4b:s10+s3] =	stream.indirect_vreg.scatter [tilespmem:s28], [sflag:$0x2], $0x80, v4, vm0, $0xb8;
	[tilespmem:$0x10180] =	vst v63  }
0x140: {  	_ = 	snop  }
0x141: {  	[hbm4b:s11+s3] =	stream.indirect_vreg.scatter [tilespmem:s31], [sflag:$0x2], $0x80, v4, vm0, $0xb8;
	[tilespmem:$0x10180] =	vst v63  }
0x142: {  	s22 =	simm.s32 $0x2180  }
0x143: {  	[hbm4b:s4+s3] =	stream.indirect_vreg.scatter [tilespmem:s22], [sflag:$0x2], $0x80, v3, vm0, $0xb8;
	[tilespmem:$0x10180] =	vst v63  }
0x144: {  	s28 =	simm.s32 $0x2980  }
0x145: {  	[hbm4b:s9+s3] =	stream.indirect_vreg.scatter [tilespmem:s28], [sflag:$0x2], $0x80, v3, vm0, $0xb8;
	[tilespmem:$0x10180] =	vst v63  }
0x146: {  	s22 =	simm.s32 $0x3180  }
0x147: {  	[hbm4b:s10+s3] =	stream.indirect_vreg.scatter [tilespmem:s22], [sflag:$0x2], $0x80, v3, vm0, $0xb8;
	[tilespmem:$0x10180] =	vst v63  }
0x148: {  	s28 =	simm.s32 $0x3980  }
0x149: {  	[hbm4b:s11+s3] =	stream.indirect_vreg.scatter [tilespmem:s28], [sflag:$0x2], $0x80, v3, vm0, $0xb8;
	[tilespmem:$0x10180] =	vst v63  }
0x14a: {  	v3 =	vld [tilespmem:$0x90];
	_ =	sdelay $0x4  }
0x14b: {  	v61 =	vshll.u32 v3, $0x3  }
0x14c: {  	v3 =	vand.u32 $0x7, v3;
	v4 =	vand.u32 $0xFFFFFFC0, v61  }
0x14d: {  	v3 =	vor.u32 v3, v4  }
0x14e: {  	v4 =	vperm.xlane v3, v0;
	_ =	sdelay $0x1  }
0x14f: {  	v4 =	vadd.s32 v1, v4;
	_ =	sdelay $0x3  }
0x150: {  	s22 =	simm.s32 $0x4180  }
0x151: {  	[hbm4b:s4+s3] =	stream.indirect_vreg.scatter [tilespmem:s22], [sflag:$0x2], $0x80, v4, vm0, $0xb8;
	[tilespmem:$0x10180] =	vst v63  }
0x152: {  	s28 =	simm.s32 $0x4980;
	v3 =	vperm.xlane v3, v2  }
0x153: {  	[hbm4b:s9+s3] =	stream.indirect_vreg.scatter [tilespmem:s28], [sflag:$0x2], $0x80, v4, vm0, $0xb8;
	[tilespmem:$0x10180] =	vst v63  }
0x154: {  	v3 =	vadd.s32 v1, v3;
	s22 =	simm.s32 $0x5180  }
0x155: {  	[hbm4b:s10+s3] =	stream.indirect_vreg.scatter [tilespmem:s22], [sflag:$0x2], $0x80, v4, vm0, $0xb8;
	[tilespmem:$0x10180] =	vst v63  }
0x156: {  	s28 =	simm.s32 $0x5980  }
0x157: {  	[hbm4b:s11+s3] =	stream.indirect_vreg.scatter [tilespmem:s28], [sflag:$0x2], $0x80, v4, vm0, $0xb8;
	[tilespmem:$0x10180] =	vst v63  }
0x158: {  	s22 =	simm.s32 $0x6180  }
0x159: {  	[hbm4b:s4+s3] =	stream.indirect_vreg.scatter [tilespmem:s22], [sflag:$0x2], $0x80, v3, vm0, $0xb8;
	[tilespmem:$0x10180] =	vst v63  }
0x15a: {  	s28 =	simm.s32 $0x6980  }
0x15b: {  	[hbm4b:s9+s3] =	stream.indirect_vreg.scatter [tilespmem:s28], [sflag:$0x2], $0x80, v3, vm0, $0xb8;
	[tilespmem:$0x10180] =	vst v63  }
0x15c: {  	s22 =	simm.s32 $0x7180  }
0x15d: {  	[hbm4b:s10+s3] =	stream.indirect_vreg.scatter [tilespmem:s22], [sflag:$0x2], $0x80, v3, vm0, $0xb8;
	[tilespmem:$0x10180] =	vst v63  }
0x15e: {  	s28 =	simm.s32 $0x7980  }
0x15f: {  	[hbm4b:s11+s3] =	stream.indirect_vreg.scatter [tilespmem:s28], [sflag:$0x2], $0x80, v3, vm0, $0xb8;
	[tilespmem:$0x10180] =	vst v63  }
0x160: {  	_ =	swait.ge [sflag:s13], $0x8000  }
0x161: {  	[sflag:s13] =	ssyncset.done $0x0  }
0x162: {  	s22 =	simm.s32 $0x100;
	s21 =	rddreg [dreg:$0x7];
	[sflag:s13] =	ssyncadd.s32 $0xFFFF8000  }
0x163: {  	[tilespmem:s22], [sflag:$0x2] =	stream.linear.gather [hbm4b:s21+s3], $0x20, $0x38;
	[tilespmem:$0x10180] =	vst v63  }
0x164: {  	_ =	swait.ge [sflag:s13], $0x20  }
0x165: {  	[sflag:s13] =	ssyncset.done $0x0  }
0x166: {  	[sflag:s13] =	ssyncadd.s32 $0xFFFFFFE0  }
0x167: {  	_ =	swait.ge [sflag:s29], $0x8000  }
0x168: {  	[sflag:s29] =	ssyncset.done $0x0  }
0x169: {  	[sflag:s29] =	ssyncadd.s32 $0xFFFF8000  }
0x16a: {  	v3 =	vld [tilespmem:$0x100];
	_ =	sdelay $0x4  }
0x16b: {  	v62 =	vshll.u32 v3, $0x3  }
0x16c: {  	v3 =	vand.u32 $0x7, v3;
	v4 =	vand.u32 $0xFFFFFFC0, v62  }
0x16d: {  	v3 =	vor.u32 v3, v4  }
0x16e: {  	v4 =	vperm.xlane v3, v0;
	_ =	sdelay $0x1  }
0x16f: {  	v4 =	vadd.s32 v1, v4;
	_ =	sdelay $0x3  }
0x170: {  	s28 =	simm.s32 $0x8180  }
0x171: {  	[hbm4b:s4+s3] =	stream.indirect_vreg.scatter [tilespmem:s28], [sflag:$0x2], $0x80, v4, vm0, $0xb8;
	[tilespmem:$0x10180] =	vst v63  }
0x172: {  	v3 =	vperm.xlane v3, v2  }
0x173: {  	[hbm4b:s9+s3] =	stream.indirect_vreg.scatter [tilespmem:s24], [sflag:$0x2], $0x80, v4, vm0, $0xb8;
	[tilespmem:$0x10180] =	vst v63  }
0x174: {  	s25 =	simm.s32 $0x9180;
	v3 =	vadd.s32 v1, v3  }
0x175: {  	[hbm4b:s10+s3] =	stream.indirect_vreg.scatter [tilespmem:s25], [sflag:$0x2], $0x80, v4, vm0, $0xb8;
	[tilespmem:$0x10180] =	vst v63  }
0x176: {  	s26 =	simm.s32 $0x9980  }
0x177: {  	[hbm4b:s11+s3] =	stream.indirect_vreg.scatter [tilespmem:s26], [sflag:$0x2], $0x80, v4, vm0, $0xb8;
	[tilespmem:$0x10180] =	vst v63  }
0x178: {  	s23 =	simm.s32 $0xA180  }
0x179: {  	[hbm4b:s4+s3] =	stream.indirect_vreg.scatter [tilespmem:s23], [sflag:$0x2], $0x80, v3, vm0, $0xb8;
	[tilespmem:$0x10180] =	vst v63  }
0x17a: {  	s0 =	simm.s32 $0xA980  }
0x17b: {  	[hbm4b:s9+s3] =	stream.indirect_vreg.scatter [tilespmem:s0], [sflag:$0x2], $0x80, v3, vm0, $0xb8;
	[tilespmem:$0x10180] =	vst v63  }
0x17c: {  	s2 =	simm.s32 $0xB180  }
0x17d: {  	[hbm4b:s10+s3] =	stream.indirect_vreg.scatter [tilespmem:s2], [sflag:$0x2], $0x80, v3, vm0, $0xb8;
	[tilespmem:$0x10180] =	vst v63  }
0x17e: {  	s30 =	simm.s32 $0xB980  }
0x17f: {  	[hbm4b:s11+s3] =	stream.indirect_vreg.scatter [tilespmem:s30], [sflag:$0x2], $0x80, v3, vm0, $0xb8;
	[tilespmem:$0x10180] =	vst v63  }
0x180: {  	v3 =	vld [tilespmem:$0x110];
	_ =	sdelay $0x4  }
0x181: {  	v63 =	vshll.u32 v3, $0x3  }
0x182: {  	v3 =	vand.u32 $0x7, v3;
	v4 =	vand.u32 $0xFFFFFFC0, v63  }
0x183: {  	v3 =	vor.u32 v3, v4  }
0x184: {  	v4 =	vperm.xlane v3, v0;
	_ =	sdelay $0x1  }
0x185: {  	v4 =	vadd.s32 v1, v4;
	_ =	sdelay $0x3  }
0x186: {  	s19 =	simm.s32 $0xC180  }
0x187: {  	[hbm4b:s4+s3] =	stream.indirect_vreg.scatter [tilespmem:s19], [sflag:$0x2], $0x80, v4, vm0, $0xb8;
	[tilespmem:$0x10180] =	vst v63  }
0x188: {  	s20 =	simm.s32 $0xC980;
	v3 =	vperm.xlane v3, v2  }
0x189: {  	[hbm4b:s9+s3] =	stream.indirect_vreg.scatter [tilespmem:s20], [sflag:$0x2], $0x80, v4, vm0, $0xb8;
	[tilespmem:$0x10180] =	vst v63  }
0x18a: {  	s6 =	simm.s32 $0xD180;
	v3 =	vadd.s32 v1, v3  }
0x18b: {  	[hbm4b:s10+s3] =	stream.indirect_vreg.scatter [tilespmem:s6], [sflag:$0x2], $0x80, v4, vm0, $0xb8;
	[tilespmem:$0x10180] =	vst v63  }
0x18c: {  	s14 =	simm.s32 $0xD980  }
0x18d: {  	[hbm4b:s11+s3] =	stream.indirect_vreg.scatter [tilespmem:s14], [sflag:$0x2], $0x80, v4, vm0, $0xb8;
	[tilespmem:$0x10180] =	vst v63  }
0x18e: {  	s15 =	simm.s32 $0xE180  }
0x18f: {  	[hbm4b:s4+s3] =	stream.indirect_vreg.scatter [tilespmem:s15], [sflag:$0x2], $0x80, v3, vm0, $0xb8;
	[tilespmem:$0x10180] =	vst v63  }
0x190: {  	s16 =	simm.s32 $0xE980  }
0x191: {  	[hbm4b:s9+s3] =	stream.indirect_vreg.scatter [tilespmem:s16], [sflag:$0x2], $0x80, v3, vm0, $0xb8;
	[tilespmem:$0x10180] =	vst v63  }
0x192: {  	p0 =	sne.s32 s12, $0x1;
	s17 =	simm.s32 $0xF180  }
0x193: {  	[hbm4b:s10+s3] =	stream.indirect_vreg.scatter [tilespmem:s17], [sflag:$0x2], $0x80, v3, vm0, $0xb8;
	[tilespmem:$0x10180] =	vst v63  }
.Ltmp0:
0x194: {  	s18 =	simm.s32 $0xF980;
	(pc) =	sbr.rel @p0 .LBB2_1-.Ltmp0, $4  }
0x195: {  	[hbm4b:s11+s3] =	stream.indirect_vreg.scatter [tilespmem:s18], [sflag:$0x2], $0x80, v3, vm0, $0xb8;
	[tilespmem:$0x10180] =	vst v63  }
0x196: {  	_ =	swait.ge [sflag:s13], $0x8000  }
0x197: {  	[sflag:s13] =	ssyncset.done $0x0  }
0x198: {  	s12 =	sadd.s32 $0xFFFFFFFF, s12;
	[sflag:s13] =	ssyncadd.s32 $0xFFFF8000  }
0x199: {  	_ =	sfence.sel $0x180000  }
0x19a: {  	[bflag:$0x0] =	sbarrier.arrive $0xFFFF  }
0x19b: {  	_ =	strace $0x90000047  }
0x19c: {  	s0 =	stileid.u32;
	[bflag:$0x2] =	sbarrier.arrive $0xFFFF  }
0x19d: {  	p0 =	sne.s32 s0, $0x0;
	s0 =	rddreg [dreg:$0x3]  }
0x19e: {  	s0 =	sadd.s32 @!p0 $0x100000, s0  }
0x19f: {  	[sflag:s0] =	ssyncadd.tile.s32 @!p0 $0x1;
	_ =	shalt  }
.Lfunc_end2:
_tile_overlayer_lowered:
.L_overlay_start_2:
0x1a0: {  	(tag) =	ssettag $0x2  }
0x1a1: {  	s0 =	rddreg [dreg:$0x0];
	s2 =	stileid.u32  }
0x1a2: {  	s1 =	rddreg [dreg:$0x1];
	p0 =	sne.s32 s2, $0x0  }
0x1a3: {  	s3 =	rddreg [dreg:$0x2];
	[bflag:$0x3] =	sbarrier.arrive $0xFFFF;
	s2 =	simm.s32 @!p0 $0x1C02  }
0x1a4: {  	[timem:s3], [sflag:s2] =	dma.local @!p0 [hbm:s0], s1  }
0x1a5: {  	s0 =	simm.s32 @!p0 $0x2  }
0x1a6: {  	_ =	swait.ge @!p0 [sflag:s0], s1  }
0x1a7: {  	s1 =	ssub.s32 @!p0 $0x0, s1;
	[sflag:s0] =	ssyncset.done @!p0 $0x0  }
0x1a8: {  	[sflag:s0] =	ssyncadd.s32 @!p0 s1  }
0x1a9: {  	[bflag:$0x3] =	sbarrier.arrive $0xFFFF  }
0x1aa: {  	_ =	shalt  }

// kernel: kernel.8.cloned.1.call-start
scs
__scs_entry_jumppad:
0x0: {  	(pc) =	sbr.rel $0x88, $3  }
0x1: {  	(tag) =	ssettag $0x0;
	lr =	simm.s32 $0x1  }
0x2: {  	[smem:$0x3F9C] =	sst lr;
	_ =	strace $0xD0000000  }
0x3: {  	_ = 	snop  }
0x4: {  	_ = 	snop  }
0x5: {  	_ = 	snop  }
0x6: {  	_ = 	snop  }
0x7: {  	_ = 	snop  }
__scs_overlays_trampoline_lowered:
0x8: {  	[smem:$0x3FAB] =	sst s0  }
0x9: {  	[smem:$0x3FAC] =	sst s1  }
0xa: {  	[smem:$0x3FAD] =	sst s2  }
0xb: {  	[smem:$0x3FAE] =	sst s3  }
0xc: {  	[smem:$0x3FAF] =	sst s4  }
0xd: {  	[smem:$0x3FB0] =	sst s5  }
0xe: {  	[smem:$0x3FB1] =	sst s6  }
0xf: {  	[smem:$0x3FB2] =	sst s7  }
0x10: {  	[smem:$0x3FB3] =	sst s8  }
0x11: {  	[smem:$0x3FB4] =	sst s9;
	s0 =	simm.s32 @!p0 $0x0  }
0x12: {  	s1 =	sld [smem:$0x3F9A];
	s0 =	simm.s32 @p0 $0x1  }
0x13: {  	[smem:$0x3FB5] =	sst s0;
	s0 =	simm.s32 @!p1 $0x0  }
0x14: {  	s2 =	sld [smem:$0x3F99];
	s0 =	simm.s32 @p1 $0x1  }
0x15: {  	[smem:$0x3FB6] =	sst s0;
	s0 =	simm.s32 @!p2 $0x0  }
0x16: {  	s3 =	sld [smem:$0x3FDB];
	s0 =	simm.s32 @p2 $0x1  }
0x17: {  	s4 =	simm.s32 $0x1BF5;
	[smem:$0x3FB8] =	sst s0  }
0x18: {  	s0 =	sld [smem:$0x3F9B];
	_ =	swait.ge [sflag:s4], $0x0  }
0x19: {  	s7 =	sld [smem:$0x3F9C]  }
0x1a: {  	s8 =	sadd.s32 $0xFFFFE003, lr  }
0x1b: {  	s9 =	sadd.s32 $0xFFFFFEF7, lr;
	s5 =	simm.s32 $0xFFFFFFFF;
	p2 =	slt.u32 s8, $0xFFFFF086  }
0x1c: {  	p1 =	slt.u32 s9, $0xF7A;
	s5 =	simm.s32 @!p2 $0x0  }
0x1d: {  	s5 =	simm.s32 @p1 $0x1;
	p0 =	seq.s32 s7, s2  }
0x1e: {  	s7 =	smul.u32 @!p0 $0xF7A, s2;
	p2 =	seq.s32 @!p0 s5, $0x0  }
0x1f: {  	s9 =	smul.u32 $0xF7A, s1;
	s8 =	simm.s32 @!p0 $0x1BF5;
	p2 =	por !p2, p0  }
0x20: {  	[sflag:s8] =	ssyncset.s32 @!p0 $0xFFFFF086;
	s6 =	sadd.s32 @!p0 s3, s7;
	s7 =	simm.s32 @!p0 $0x108  }
0x21: {  	s3 =	sadd.s32 s3, s9;
	s6 =	sadd.s32 @!p0 $0x88, s6;
	s7 =	simm.s32 @p2 $0x1082  }
0x22: {  	[simem:s7], [sflag:s8] =	dma.local @!p0 [hbm:s6], $0xF7A  }
0x23: {  	s9 =	sor.u32 $0xD0000000, s2;
	s6 =	simm.s32 $0x108;
	_ =	swait.ge @!p0 [sflag:s8], $0x0  }
0x24: {  	s3 =	sadd.s32 $0x88, s3;
	s6 =	simm.s32 @!p1 $0x1082;
	[sflag:s4] =	ssyncset.s32 $0xFFFFF086  }
0x25: {  	[simem:s6], [sflag:s4] =	dma.local [hbm:s3], $0xF7A  }
0x26: {  	[smem:$0x3F9C] =	sst s1;
	(tag) =	ssettag s2;
	_ =	strace s9  }
0x27: {  	s1 =	sld [smem:$0x3FAC]  }
0x28: {  	s2 =	sld [smem:$0x3FAD]  }
0x29: {  	s4 =	sld [smem:$0x3FAF]  }
0x2a: {  	p0 =	seq.s32 s5, $0x0;
	s5 =	sld [smem:$0x3FB0]  }
0x2b: {  	s6 =	sld [smem:$0x3FB1]  }
0x2c: {  	s7 =	sld [smem:$0x3FB2]  }
0x2d: {  	s3 =	simm.s32 $0x108;
	s8 =	sld [smem:$0x3FB3]  }
0x2e: {  	s3 =	simm.s32 @!p0 $0x1082;
	s9 =	sld [smem:$0x3FB4]  }
0x2f: {  	lr =	sadd.s32 s0, s3;
	s0 =	sld [smem:$0x3FAB]  }
0x30: {  	s3 =	sld [smem:$0x3FAE]  }
0x31: {  	[smem:$0x3FB7] =	sst s10  }
0x32: {  	s10 =	sld [smem:$0x3FB5];
	_ =	sdelay $0x3  }
0x33: {  	p0 =	seq.s32 s10, $0x1;
	s10 =	sld [smem:$0x3FB7];
	_ =	sdelay $0x3  }
0x34: {  	[smem:$0x3FB7] =	sst s10  }
0x35: {  	s10 =	sld [smem:$0x3FB6];
	_ =	sdelay $0x3  }
0x36: {  	p1 =	seq.s32 s10, $0x1;
	s10 =	sld [smem:$0x3FB7];
	_ =	sdelay $0x3  }
0x37: {  	[smem:$0x3FB7] =	sst s10  }
0x38: {  	s10 =	sld [smem:$0x3FB8]  }
0x39: {  	_ = 	snop;
	(pc) =	sbr.ind lr, $3  }
0x3a: {  	_ = 	snop  }
0x3b: {  	_ = 	snop  }
0x3c: {  	p2 =	seq.s32 s10, $0x1;
	s10 =	sld [smem:$0x3FB7]  }
0x3d: {  	_ =	shalt  }
0x3e: {  	_ =	shalt  }
0x3f: {  	_ =	shalt  }
0x40: {  	_ =	shalt  }
0x41: {  	_ =	shalt  }
0x42: {  	_ =	shalt  }
0x43: {  	_ =	shalt  }
0x44: {  	_ =	shalt  }
0x45: {  	_ =	shalt  }
0x46: {  	_ =	shalt  }
0x47: {  	_ =	shalt  }
0x48: {  	_ =	shalt  }
0x49: {  	_ =	shalt  }
0x4a: {  	_ =	shalt  }
0x4b: {  	_ =	shalt  }
0x4c: {  	_ =	shalt  }
0x4d: {  	_ =	shalt  }
0x4e: {  	_ =	shalt  }
0x4f: {  	_ =	shalt  }
0x50: {  	_ =	shalt  }
0x51: {  	_ =	shalt  }
0x52: {  	_ =	shalt  }
0x53: {  	_ =	shalt  }
0x54: {  	_ =	shalt  }
0x55: {  	_ =	shalt  }
0x56: {  	_ =	shalt  }
0x57: {  	_ =	shalt  }
0x58: {  	_ =	shalt  }
0x59: {  	_ =	shalt  }
0x5a: {  	_ =	shalt  }
0x5b: {  	_ =	shalt  }
0x5c: {  	_ =	shalt  }
0x5d: {  	_ =	shalt  }
0x5e: {  	_ =	shalt  }
0x5f: {  	_ =	shalt  }
0x60: {  	_ =	shalt  }
0x61: {  	_ =	shalt  }
0x62: {  	_ =	shalt  }
0x63: {  	_ =	shalt  }
0x64: {  	_ =	shalt  }
0x65: {  	_ =	shalt  }
0x66: {  	_ =	shalt  }
0x67: {  	_ =	shalt  }
0x68: {  	_ =	shalt  }
0x69: {  	_ =	shalt  }
0x6a: {  	_ =	shalt  }
0x6b: {  	_ =	shalt  }
0x6c: {  	_ =	shalt  }
0x6d: {  	_ =	shalt  }
0x6e: {  	_ =	shalt  }
0x6f: {  	_ =	shalt  }
0x70: {  	_ =	shalt  }
0x71: {  	_ =	shalt  }
0x72: {  	_ =	shalt  }
0x73: {  	_ =	shalt  }
0x74: {  	_ =	shalt  }
0x75: {  	_ =	shalt  }
0x76: {  	_ =	shalt  }
0x77: {  	_ =	shalt  }
0x78: {  	_ =	shalt  }
0x79: {  	_ =	shalt  }
0x7a: {  	_ =	shalt  }
0x7b: {  	_ =	shalt  }
0x7c: {  	_ =	shalt  }
0x7d: {  	_ =	shalt  }
0x7e: {  	_ =	shalt  }
0x7f: {  	_ =	shalt  }
0x80: {  	_ =	shalt  }
0x81: {  	_ =	shalt  }
0x82: {  	_ =	shalt  }
0x83: {  	_ =	shalt  }
0x84: {  	_ =	shalt  }
0x85: {  	_ =	shalt  }
0x86: {  	_ =	shalt  }
0x87: {  	_ =	shalt  }
.Lfunc_end0:
.L_simem_size_0:
called_computation.1_lowered:
.L_overlay_start_0:
0x88: {  	s2 =	sld [smem:$0x3FD9]  }
0x89: {  	s3 =	sld [smem:$0x3FFE];
	_ =	sdelay $0x1  }
0x8a: {  	s1 =	srdreg.scid  }
0x8b: {  	s0 =	sand.u32 $0x1, s1  }
0x8c: {  	s17 =	sshll.u32 s0, $0xA;
	s2 =	sadd.s32 s3, s2  }
0x8d: {  	s2 =	sadd.s32 s2, s17  }
0x8e: {  	[smem:$0x3FC3] =	sst s2  }
0x8f: {  	_ = 	snop  }
0x90: {  	s2 =	sld [smem:$0x3FD0];
	(tm) =	ssettm $0x1  }
0x91: {  	s18 =	sld [smem:$0x3FFB];
	_ =	sdelay $0x3  }
0x92: {  	_ =	strace s18  }
0x93: {  	s3 =	sld [smem:$0x3FFC];
	_ =	sdelay $0x3  }
0x94: {  	_ =	strace s3  }
0x95: {  	s3 =	sld [smem:$0x3FFD];
	_ =	sdelay $0x3  }
0x96: {  	_ =	strace s3  }
0x97: {  	_ =	strace $0x8FFFFFFF  }
0x98: {  	s19 =	sld [smem:$0x3FDB];
	_ =	sdelay $0x1  }
0x99: {  	s4 =	simm.s32 $_scs_section_size  }
0x9a: {  	s5 =	simm.s32 $_size__tile_overlayer_lowered;
	s6 =	simm.s32 $_tile_overlayer_lowered  }
0x9b: {  	s22 =	simm.s32 $0x1BFF;
	s21 =	sshll.u32 s6, $0x1;
	s3 =	sadd.s32 s4, s19  }
0x9c: {  	s7 =	simm.s32 $0x0;
	s20 =	sshll.u32 s5, $0x1;
	s5 =	sadd.s32 s21, s3  }
0x9d: {  	[timem:s7], [sflag:s22] =	dma.local [hbm:s5], s20  }
0x9e: {  	_ =	swait.ge [sflag:s22], s20  }
0x9f: {  	s4 =	ssub.s32 $0x0, s20;
	[sflag:s22] =	ssyncset.done $0x0  }
0xa0: {  	[sflag:s22] =	ssyncadd.s32 s4;
	_ =	sdelay $0x1  }
0xa1: {  	s23 =	simm.s32 $0x1B8B  }
0xa2: {  	_ =	swait.ge [sflag:s23], $0x1  }
0xa3: {  	[sflag:s23] =	ssyncset.done $0x0  }
0xa4: {  	s25 =	simm.s32 $0x1B8E;
	s24 =	sld [smem:$0x3FFE];
	[sflag:s23] =	ssyncadd.s32 $0xFFFFFFFF  }
0xa5: {  	s26 =	simm.s32 $execute0_lowered;
	[smem:$0x3FD2] =	sst s25  }
0xa6: {  	s5 =	sshll.u32 s26, $0x1;
	_ =	strace $0x80000049;
	[dreg:$0x1] =	wrdreg $0xFFFFFFFF  }
0xa7: {  	s28 =	simm.s32 $_size_execute0_lowered;
	s3 =	sadd.s32 s3, s5;
	[dreg:$0x0] =	wrdreg $0x0  }
0xa8: {  	s5 =	sshll.u32 s28, $0x1;
	[dreg:$0x2] =	wrdreg s3  }
0xa9: {  	[dreg:$0x3] =	wrdreg s5  }
0xaa: {  	[dreg:$0x4] =	wrdreg $0xC0  }
0xab: {  	_ =	task [dreg:s7], $0x5FFFF  }
0xac: {  	[dreg:$0x1] =	wrdreg $0xFFFFFFFF  }
0xad: {  	[dreg:$0x0] =	wrdreg $0x60  }
0xae: {  	[dreg:$0x2] =	wrdreg s24  }
0xaf: {  	[dreg:$0x3] =	wrdreg s2  }
0xb0: {  	[dreg:$0x4] =	wrdreg $0x9  }
0xb1: {  	_ =	task.clear_ibuf [dreg:s7], $0x5FFFF;
	_ =	strace $0x90000049  }
0xb2: {  	s29 =	simm.s32 $0x9;
	_ =	strace $0x8000004B  }
0xb3: {  	_ =	swait.ge [sflag:s29], $0x1  }
0xb4: {  	[sflag:s29] =	ssyncadd.s32 $0xFFFFFFFF  }
0xb5: {  	_ =	strace $0x9000004B  }
0xb6: {  	_ =	sfence  }
0xb7: {  	s30 =	sld [smem:$0x0];
	_ =	sdelay $0x2  }
0xb8: {  	s31 =	sshll.u32 s1, $0xD;
	s1 =	sshrl.u32 s1, $0x2  }
0xb9: {  	s3 =	sand.u32 $0x4000, s31;
	s1 =	sadd.s32 s1, s30  }
0xba: {  	s0 =	sor.u32 s3, s0;
	s1 =	sshll.u32 s1, $0x11  }
0xbb: {  	s0 =	sor.u32 s1, s0  }
0xbc: {  	s0 =	sadd.s32 $0x8F2B, s0  }
0xbd: {  	[sflag:s0] =	ssyncadd.remote.s32 $0x1  }
0xbe: {  	_ =	sfence.sel $0xFFFF  }
0xbf: {  	[dreg:$0x0] =	wrdreg $0xFFFFFFFF;
	(pc) =	sbr.abs _section_cstart, $3  }
0xc0: {  	[dreg:$0x1] =	wrdreg $0xFFFFFFFF  }
0xc1: {  	_ =	task.clear_ibuf [dreg:s7], $0x2FFFF;
	_ =	strace $0x9FFFFFFF  }
0xc2: {  	(tm) =	ssettm $0x7FFFFFFF  }
0xc3: {  	_ =	shalt  }
tec
execute0_lowered:
.L_overlay_start_1:
0x0: {  	(tag) =	ssettag $0x1  }
0x1: {  	s0 =	rddreg [dreg:$0x0]  }
0x2: {  	s1 =	rddreg [dreg:$0x1];
	s2 =	simm.s32 $0x0;
	s3 =	srdreg.scid  }
0x3: {  	s5 =	stileid.u32;
	s15 =	simm.s32 $0x2;
	s17 =	simm.s32 $0x100  }
0x4: {  	s18 =	simm.s32 $0x180;
	s11 =	simm.s32 $0x7180;
	s12 =	simm.s32 $0xC180  }
0x5: {  	s13 =	simm.s32 $0xD180;
	s14 =	simm.s32 $0xE180;
	s28 =	simm.s32 $0xF180  }
0x6: {  	s29 =	simm.s32 $0xF980;
	s30 =	simm.s32 $0x0;
	[smem:$0x7FF] =	sst s2  }
0x7: {  	s4 =	sand.u32 $0x1, s3;
	s21 =	sshll.u32 s5, $0x1;
	s3 =	sadd.s32 $0xC0C00, s0  }
0x8: {  	s10 =	sadd.s32 $0xC0F00, s0;
	_ =	strace $0x8000004A;
	s5 =	sor.u32 s4, s21  }
0x9: {  	s4 =	ssub.s32 $0x2, s4;
	s21 =	simm.s32 $0x980;
	s6 =	sshll.u32 s5, $0x3  }
0xa: {  	s7 =	sshll.u32 s5, $0x4;
	s8 =	sshrl.u32 s4, $0x1;
	s6 =	sadd.s32 s6, s0  }
0xb: {  	s5 =	sshll.u32 s5, $0xD;
	s7 =	sadd.s32 s7, s0;
	s22 =	sadd.s32 $0xC0A00, s6  }
0xc: {  	s4 =	ssub.s32 s4, s8;
	s6 =	sadd.s32 $0xC0800, s6;
	[dreg:$0x3] =	wrdreg s22  }
0xd: {  	s9 =	sadd.s32 s1, s5;
	s23 =	sadd.s32 $0xC0400, s7;
	[dreg:$0x4] =	wrdreg s6  }
0xe: {  	s8 =	sadd.s32 $0xC0E00, s0;
	s24 =	sadd.s32 $0x800, s9;
	[dreg:$0x5] =	wrdreg s23  }
0xf: {  	s5 =	simm.s32 $0x4180;
	s25 =	sadd.s32 $0x1000, s9;
	[dreg:$0x6] =	wrdreg s24  }
0x10: {  	s7 =	sadd.s32 $0xC0D00, s0;
	s26 =	sadd.s32 $0x1800, s9;
	[dreg:$0x7] =	wrdreg s25  }
0x11: {  	v2 =	vlaneseq.u32;
	s31 =	smax.u32 s4, $0x1;
	s4 =	simm.s32 $0x1;
	[dreg:$0x8] =	wrdreg s26  }
0x12: {  	vm0 =	vmmov $0xffff;
	v1 =	vshrl.u32 v2, $0x3;
	[dreg:$0x9] =	wrdreg s31;
	s22 =	simm.s32 $0x6980;
	s23 =	simm.s32 $0x7980  }
0x13: {  	v0 =	vand.u32 $0x7, v2;
	v2 =	vor.u32 $0x8, v2;
	v1 =	vmul.u32 $0x8, v1;
	s24 =	simm.s32 $0xC980;
	s25 =	simm.s32 $0xD980;
	s26 =	simm.s32 $0xE980  }
.LBB2_1:
0x14: {  	s0 =	rddreg [dreg:$0x3]  }
0x15: {  	[tilespmem:s2], [sflag:$0x2] =	stream.linear.gather [hbm4b:s0+s2], $0x40, $0x38;
	[tilespmem:$0x10180] =	vst v63  }
0x16: {  	_ =	swait.ge [sflag:s15], $0x40  }
0x17: {  	[sflag:s15] =	ssyncset.done $0x0  }
0x18: {  	s1 =	simm.s32 $0x80;
	s20 =	rddreg [dreg:$0x4];
	[sflag:s15] =	ssyncadd.s32 $0xFFFFFFC0  }
0x19: {  	[tilespmem:s1], [sflag:$0x2] =	stream.linear.gather [hbm4b:s20+s2], $0x40, $0x38;
	[tilespmem:$0x10180] =	vst v63  }
0x1a: {  	_ =	swait.ge [sflag:s15], $0x40  }
0x1b: {  	[sflag:s15] =	ssyncset.done $0x0  }
0x1c: {  	s6 =	rddreg [dreg:$0x5];
	[sflag:s15] =	ssyncadd.s32 $0xFFFFFFC0  }
0x1d: {  	[tilespmem:s17], [sflag:$0x2] =	stream.linear.gather [hbm4b:s6+s2], $0x80, $0x38;
	[tilespmem:$0x10180] =	vst v63  }
0x1e: {  	_ =	swait.ge [sflag:s15], $0x80  }
0x1f: {  	[sflag:s15] =	ssyncset.done $0x0  }
0x20: {  	[sflag:s15] =	ssyncadd.s32 $0xFFFFFF80  }
0x21: {  	v3 =	vld [tilespmem:$0x0];
	_ =	sdelay $0x4  }
0x22: {  	v4 =	vshll.u32 v3, $0x3  }
0x23: {  	v3 =	vand.u32 $0x7, v3;
	v4 =	vand.u32 $0xFFFFFFC0, v4  }
0x24: {  	v3 =	vor.u32 v3, v4  }
0x25: {  	v4 =	vperm.xlane v3, v0;
	_ =	sdelay $0x1  }
0x26: {  	v4 =	vadd.s32 v1, v4;
	_ =	sdelay $0x4  }
0x27: {  	[tilespmem:s18], [sflag:$0x1] =	stream.indirect_vreg.gather [hbm4b:s3+s2], $0x80, v4, vm0, $0xb8;
	[tilespmem:$0x10180] =	vst v63  }
0x28: {  	v3 =	vperm.xlane v3, v2  }
0x29: {  	[tilespmem:s21], [sflag:$0x1] =	stream.indirect_vreg.gather [hbm4b:s7+s2], $0x80, v4, vm0, $0xb8;
	[tilespmem:$0x10180] =	vst v63  }
0x2a: {  	s16 =	simm.s32 $0x1180;
	v3 =	vadd.s32 v1, v3  }
0x2b: {  	[tilespmem:s16], [sflag:$0x1] =	stream.indirect_vreg.gather [hbm4b:s8+s2], $0x80, v4, vm0, $0xb8;
	[tilespmem:$0x10180] =	vst v63  }
0x2c: {  	s19 =	simm.s32 $0x1980  }
0x2d: {  	[tilespmem:s19], [sflag:$0x1] =	stream.indirect_vreg.gather [hbm4b:s10+s2], $0x80, v4, vm0, $0xb8;
	[tilespmem:$0x10180] =	vst v63  }
0x2e: {  	s20 =	simm.s32 $0x2180  }
0x2f: {  	[tilespmem:s20], [sflag:$0x1] =	stream.indirect_vreg.gather [hbm4b:s3+s2], $0x80, v3, vm0, $0xb8;
	[tilespmem:$0x10180] =	vst v63  }
0x30: {  	s1 =	simm.s32 $0x2980  }
0x31: {  	[tilespmem:s1], [sflag:$0x1] =	stream.indirect_vreg.gather [hbm4b:s7+s2], $0x80, v3, vm0, $0xb8;
	[tilespmem:$0x10180] =	vst v63  }
0x32: {  	s6 =	simm.s32 $0x3180  }
0x33: {  	[tilespmem:s6], [sflag:$0x1] =	stream.indirect_vreg.gather [hbm4b:s8+s2], $0x80, v3, vm0, $0xb8;
	[tilespmem:$0x10180] =	vst v63  }
0x34: {  	s16 =	simm.s32 $0x3980  }
0x35: {  	[tilespmem:s16], [sflag:$0x1] =	stream.indirect_vreg.gather [hbm4b:s10+s2], $0x80, v3, vm0, $0xb8;
	[tilespmem:$0x10180] =	vst v63  }
0x36: {  	v3 =	vld [tilespmem:$0x80];
	_ =	sdelay $0x4  }
0x37: {  	v61 =	vshll.u32 v3, $0x3  }
0x38: {  	v3 =	vand.u32 $0x7, v3;
	v4 =	vand.u32 $0xFFFFFFC0, v61  }
0x39: {  	v3 =	vor.u32 v3, v4  }
0x3a: {  	v4 =	vperm.xlane v3, v0;
	_ =	sdelay $0x1  }
0x3b: {  	v4 =	vadd.s32 v1, v4;
	_ =	sdelay $0x3  }
0x3c: {  	s19 =	simm.s32 $0x8180  }
0x3d: {  	[tilespmem:s19], [sflag:$0x1] =	stream.indirect_vreg.gather [hbm4b:s3+s2], $0x80, v4, vm0, $0xb8;
	[tilespmem:$0x10180] =	vst v63  }
0x3e: {  	s20 =	simm.s32 $0x8980;
	v3 =	vperm.xlane v3, v2  }
0x3f: {  	[tilespmem:s20], [sflag:$0x1] =	stream.indirect_vreg.gather [hbm4b:s7+s2], $0x80, v4, vm0, $0xb8;
	[tilespmem:$0x10180] =	vst v63  }
0x40: {  	s1 =	simm.s32 $0x9180;
	v3 =	vadd.s32 v1, v3  }
0x41: {  	[tilespmem:s1], [sflag:$0x1] =	stream.indirect_vreg.gather [hbm4b:s8+s2], $0x80, v4, vm0, $0xb8;
	[tilespmem:$0x10180] =	vst v63  }
0x42: {  	s6 =	simm.s32 $0x9980  }
0x43: {  	[tilespmem:s6], [sflag:$0x1] =	stream.indirect_vreg.gather [hbm4b:s10+s2], $0x80, v4, vm0, $0xb8;
	[tilespmem:$0x10180] =	vst v63  }
0x44: {  	s16 =	simm.s32 $0xA180  }
0x45: {  	[tilespmem:s16], [sflag:$0x1] =	stream.indirect_vreg.gather [hbm4b:s3+s2], $0x80, v3, vm0, $0xb8;
	[tilespmem:$0x10180] =	vst v63  }
0x46: {  	s19 =	simm.s32 $0xA980  }
0x47: {  	[tilespmem:s19], [sflag:$0x1] =	stream.indirect_vreg.gather [hbm4b:s7+s2], $0x80, v3, vm0, $0xb8;
	[tilespmem:$0x10180] =	vst v63  }
0x48: {  	s20 =	simm.s32 $0xB180  }
0x49: {  	[tilespmem:s20], [sflag:$0x1] =	stream.indirect_vreg.gather [hbm4b:s8+s2], $0x80, v3, vm0, $0xb8;
	[tilespmem:$0x10180] =	vst v63  }
0x4a: {  	s1 =	simm.s32 $0xB980  }
0x4b: {  	[tilespmem:s1], [sflag:$0x1] =	stream.indirect_vreg.gather [hbm4b:s10+s2], $0x80, v3, vm0, $0xb8;
	[tilespmem:$0x10180] =	vst v63  }
0x4c: {  	_ =	swait.ge [sflag:s4], $0x4000  }
0x4d: {  	[sflag:s4] =	ssyncset.done $0x0  }
0x4e: {  	[sflag:s4] =	ssyncadd.s32 $0xFFFFC000  }
0x4f: {  	_ =	swait.ge [sflag:s4], $0x4000  }
0x50: {  	[sflag:s4] =	ssyncset.done $0x0  }
0x51: {  	[sflag:s4] =	ssyncadd.s32 $0xFFFFC000  }
0x52: {  	v3 =	vld [tilespmem:$0x10];
	_ =	sdelay $0x4  }
0x53: {  	v62 =	vshll.u32 v3, $0x3  }
0x54: {  	v3 =	vand.u32 $0x7, v3;
	v4 =	vand.u32 $0xFFFFFFC0, v62  }
0x55: {  	v3 =	vor.u32 v3, v4  }
0x56: {  	v4 =	vperm.xlane v3, v0;
	_ =	sdelay $0x1  }
0x57: {  	v4 =	vadd.s32 v1, v4;
	_ =	sdelay $0x4  }
0x58: {  	[tilespmem:s5], [sflag:$0x1] =	stream.indirect_vreg.gather [hbm4b:s3+s2], $0x80, v4, vm0, $0xb8;
	[tilespmem:$0x10180] =	vst v63  }
0x59: {  	s6 =	simm.s32 $0x4980;
	v3 =	vperm.xlane v3, v2  }
0x5a: {  	[tilespmem:s6], [sflag:$0x1] =	stream.indirect_vreg.gather [hbm4b:s7+s2], $0x80, v4, vm0, $0xb8;
	[tilespmem:$0x10180] =	vst v63  }
0x5b: {  	s16 =	simm.s32 $0x5180;
	v3 =	vadd.s32 v1, v3  }
0x5c: {  	[tilespmem:s16], [sflag:$0x1] =	stream.indirect_vreg.gather [hbm4b:s8+s2], $0x80, v4, vm0, $0xb8;
	[tilespmem:$0x10180] =	vst v63  }
0x5d: {  	s19 =	simm.s32 $0x5980  }
0x5e: {  	[tilespmem:s19], [sflag:$0x1] =	stream.indirect_vreg.gather [hbm4b:s10+s2], $0x80, v4, vm0, $0xb8;
	[tilespmem:$0x10180] =	vst v63  }
0x5f: {  	s20 =	simm.s32 $0x6180  }
0x60: {  	[tilespmem:s20], [sflag:$0x1] =	stream.indirect_vreg.gather [hbm4b:s3+s2], $0x80, v3, vm0, $0xb8;
	[tilespmem:$0x10180] =	vst v63  }
0x61: {  	_ = 	snop  }
0x62: {  	[tilespmem:s22], [sflag:$0x1] =	stream.indirect_vreg.gather [hbm4b:s7+s2], $0x80, v3, vm0, $0xb8;
	[tilespmem:$0x10180] =	vst v63  }
0x63: {  	_ = 	snop  }
0x64: {  	[tilespmem:s11], [sflag:$0x1] =	stream.indirect_vreg.gather [hbm4b:s8+s2], $0x80, v3, vm0, $0xb8;
	[tilespmem:$0x10180] =	vst v63  }
0x65: {  	_ = 	snop  }
0x66: {  	[tilespmem:s23], [sflag:$0x1] =	stream.indirect_vreg.gather [hbm4b:s10+s2], $0x80, v3, vm0, $0xb8;
	[tilespmem:$0x10180] =	vst v63  }
0x67: {  	v3 =	vld [tilespmem:$0x90];
	_ =	sdelay $0x4  }
0x68: {  	v63 =	vshll.u32 v3, $0x3  }
0x69: {  	v3 =	vand.u32 $0x7, v3;
	v4 =	vand.u32 $0xFFFFFFC0, v63  }
0x6a: {  	v3 =	vor.u32 v3, v4  }
0x6b: {  	v4 =	vperm.xlane v3, v0;
	_ =	sdelay $0x1  }
0x6c: {  	v4 =	vadd.s32 v1, v4;
	_ =	sdelay $0x4  }
0x6d: {  	[tilespmem:s12], [sflag:$0x1] =	stream.indirect_vreg.gather [hbm4b:s3+s2], $0x80, v4, vm0, $0xb8;
	[tilespmem:$0x10180] =	vst v63  }
0x6e: {  	v3 =	vperm.xlane v3, v2  }
0x6f: {  	[tilespmem:s24], [sflag:$0x1] =	stream.indirect_vreg.gather [hbm4b:s7+s2], $0x80, v4, vm0, $0xb8;
	[tilespmem:$0x10180] =	vst v63  }
0x70: {  	v3 =	vadd.s32 v1, v3  }
0x71: {  	[tilespmem:s13], [sflag:$0x1] =	stream.indirect_vreg.gather [hbm4b:s8+s2], $0x80, v4, vm0, $0xb8;
	[tilespmem:$0x10180] =	vst v63  }
0x72: {  	_ = 	snop  }
0x73: {  	[tilespmem:s25], [sflag:$0x1] =	stream.indirect_vreg.gather [hbm4b:s10+s2], $0x80, v4, vm0, $0xb8;
	[tilespmem:$0x10180] =	vst v63  }
0x74: {  	_ = 	snop  }
0x75: {  	[tilespmem:s14], [sflag:$0x1] =	stream.indirect_vreg.gather [hbm4b:s3+s2], $0x80, v3, vm0, $0xb8;
	[tilespmem:$0x10180] =	vst v63  }
0x76: {  	_ = 	snop  }
0x77: {  	[tilespmem:s26], [sflag:$0x1] =	stream.indirect_vreg.gather [hbm4b:s7+s2], $0x80, v3, vm0, $0xb8;
	[tilespmem:$0x10180] =	vst v63  }
0x78: {  	_ = 	snop  }
0x79: {  	[tilespmem:s28], [sflag:$0x1] =	stream.indirect_vreg.gather [hbm4b:s8+s2], $0x80, v3, vm0, $0xb8;
	[tilespmem:$0x10180] =	vst v63  }
0x7a: {  	s31 =	simm.s32 $0x0  }
0x7b: {  	[tilespmem:s29], [sflag:$0x1] =	stream.indirect_vreg.gather [hbm4b:s10+s2], $0x80, v3, vm0, $0xb8;
	[tilespmem:$0x10180] =	vst v63  }
.LBB2_2:
0x7c: {  	s0 =	sshll.u32 s31, $0x1  }
0x7d: {  	s6 =	sshllo.u32 s31, $0x1;
	s16 =	sshll.u32 s31, $0xA;
	s1 =	sshll.u32 s31, $0x7  }
0x7e: {  	v3 =	vmov s0;
	v4 =	vmov s6;
	s0 =	sand.u32 $0x2000, s16;
	s1 =	sand.u32 $0x380, s1;
	s6 =	simm.s32 $0x0  }
0x7f: {  	s0 =	sor.u32 s0, s1;
	s19 =	sand.u32 $0x40, s6  }
0x80: {  	s6 =	sand.u32 $0x1C00, s6;
	s1 =	sor.u32 s19, s0  }
0x81: {  	s1 =	sor.u32 s6, s1  }
0x82: {  	v3 =	vbroadcast v3, $0x0;
	v5 =	vld [tilespmem:s1+$0x8180]  }
0x83: {  	v7 =	vld [tilespmem:s1+$0x8190]  }
0x84: {  	v8 =	vld [tilespmem:s1+$0x81A0]  }
0x85: {  	v6 =	vld [tilespmem:s1+$0x180]  }
0x86: {  	v9 =	vld [tilespmem:s1+$0x81B0]  }
0x87: {  	v4 =	vld.idx.msk [tilespmem:v4+s17+$0x0], $0xffff  }
0x88: {  	v3 =	vld.idx.msk [tilespmem:v3+s17+$0x0], $0xffff  }
0x89: {  	v10 =	vld [tilespmem:s1+$0x190]  }
0x8a: {  	s20 =	simm.s32 $0x40;
	v11 =	vld [tilespmem:s1+$0x1A0]  }
0x8b: {  	s16 =	sand.u32 $0x40, s20;
	s6 =	simm.s32 $0x200;
	v12 =	vld [tilespmem:s1+$0x1B0]  }
0x8c: {  	s16 =	sor.u32 s16, s0;
	s19 =	sand.u32 $0x1C00, s6  }
0x8d: {  	s16 =	sor.u32 s19, s16;
	v14 =	vmul.f32 v5, v4;
	v13 =	vmul.f32 v6, v3  }
0x8e: {  	v5 =	vld [tilespmem:s16+$0x8190];
	v15 =	vmul.f32 v7, v4;
	v10 =	vmul.f32 v10, v3  }
0x8f: {  	v7 =	vld [tilespmem:s16+$0x81A0];
	v63 =	vmul.f32 v8, v4;
	v11 =	vmul.f32 v11, v3;
	v13 =	vadd.f32 v14, v13  }
0x90: {  	v8 =	vld [tilespmem:s16+$0x81B0];
	v16 =	vmul.f32 v9, v4;
	v12 =	vmul.f32 v12, v3;
	v15 =	vadd.f32 v15, v10  }
0x91: {  	v6 =	vld [tilespmem:s16+$0x8180];
	v10 =	vadd.f32 v63, v11;
	[tilespmem:s1+$0x180] =	vst v13  }
0x92: {  	s19 =	simm.s32 $0x80;
	v11 =	vadd.f32 v16, v12;
	v9 =	vld [tilespmem:s16+$0x180];
	[tilespmem:s1+$0x190] =	vst v15  }
.LBB2_3:
0x93: {  	p0 =	sne.s32 s19, $0x3C0;
	v12 =	vld [tilespmem:s16+$0x190];
	[tilespmem:s1+$0x1A0] =	vst v10  }
0x94: {  	v10 =	vld [tilespmem:s16+$0x1A0];
	[tilespmem:s1+$0x1B0] =	vst v11;
	s1 =	smov.u32 s16  }
0x95: {  	s6 =	sadd.s32 $0x200, s6;
	s16 =	sand.u32 $0x40, s19;
	v11 =	vld [tilespmem:s1+$0x1B0]  }
0x96: {  	s20 =	sand.u32 $0x1C00, s6;
	s16 =	sor.u32 s16, s0  }
0x97: {  	v13 =	vmul.f32 v6, v4;
	s16 =	sor.u32 s20, s16;
	v9 =	vmul.f32 v9, v3  }
.Ltmp0:
0x98: {  	v14 =	vmul.f32 v5, v4;
	v6 =	vld [tilespmem:s16+$0x8180];
	v12 =	vmul.f32 v12, v3;
	(pc) =	sbr.rel @p0 .LBB2_3-.Ltmp0, $4  }
0x99: {  	v5 =	vld [tilespmem:s16+$0x8190];
	v9 =	vadd.f32 v13, v9;
	v10 =	vmul.f32 v10, v3;
	v13 =	vmul.f32 v7, v4  }
0x9a: {  	v7 =	vld [tilespmem:s16+$0x81A0];
	v12 =	vadd.f32 v14, v12;
	v11 =	vmul.f32 v11, v3;
	v14 =	vmul.f32 v8, v4  }
0x9b: {  	v8 =	vld [tilespmem:s16+$0x81B0];
	[tilespmem:s1+$0x180] =	vst v9;
	v10 =	vadd.f32 v13, v10  }
0x9c: {  	s19 =	sadd.s32 $0x40, s19;
	v9 =	vld [tilespmem:s16+$0x180];
	[tilespmem:s1+$0x190] =	vst v12;
	v11 =	vadd.f32 v14, v11  }
0x9d: {  	v12 =	vld [tilespmem:s16+$0x190];
	[tilespmem:s1+$0x1A0] =	vst v10  }
0x9e: {  	v10 =	vld [tilespmem:s16+$0x1A0];
	[tilespmem:s1+$0x1B0] =	vst v11  }
0x9f: {  	v11 =	vld [tilespmem:s16+$0x1B0];
	_ =	sdelay $0x1  }
0xa0: {  	v6 =	vmul.f32 v6, v4;
	v9 =	vmul.f32 v9, v3  }
0xa1: {  	s31 =	sadd.s32 $0x1, s31;
	v5 =	vmul.f32 v5, v4;
	v12 =	vmul.f32 v12, v3  }
0xa2: {  	p0 =	sne.s32 s31, $0x10;
	v7 =	vmul.f32 v7, v4;
	v6 =	vadd.f32 v6, v9;
	v61 =	vmul.f32 v10, v3  }
.Ltmp1:
0xa3: {  	v62 =	vmul.f32 v8, v4;
	v5 =	vadd.f32 v5, v12;
	v3 =	vmul.f32 v11, v3;
	(pc) =	sbr.rel @p0 .LBB2_2-.Ltmp1, $4  }
0xa4: {  	[tilespmem:s16+$0x180] =	vst v6;
	v63 =	vadd.f32 v7, v61  }
0xa5: {  	[tilespmem:s16+$0x190] =	vst v5;
	v3 =	vadd.f32 v62, v3  }
0xa6: {  	[tilespmem:s16+$0x1A0] =	vst v63  }
0xa7: {  	[tilespmem:s16+$0x1B0] =	vst v3  }
0xa8: {  	s31 =	simm.s32 $0x0  }
0xa9: {  	[hbm4b:s9+s31] =	stream.linear.scatter [tilespmem:s18], [sflag:$0x2], $0x4000, $0x38;
	[tilespmem:$0x10180] =	vst v63  }
0xaa: {  	_ =	swait.ge [sflag:s15], $0x4000  }
0xab: {  	[sflag:s15] =	ssyncset.done $0x0  }
0xac: {  	[sflag:s15] =	ssyncadd.s32 $0xFFFFC000  }
0xad: {  	_ =	swait.ge [sflag:s4], $0x4000  }
0xae: {  	[sflag:s4] =	ssyncset.done $0x0  }
0xaf: {  	[sflag:s4] =	ssyncadd.s32 $0xFFFFC000  }
0xb0: {  	_ =	swait.ge [sflag:s4], $0x4000  }
0xb1: {  	[sflag:s4] =	ssyncset.done $0x0  }
0xb2: {  	[sflag:s4] =	ssyncadd.s32 $0xFFFFC000  }
0xb3: {  	v3 =	vld [tilespmem:$0x20];
	_ =	sdelay $0x4  }
0xb4: {  	v4 =	vshll.u32 v3, $0x3  }
0xb5: {  	v3 =	vand.u32 $0x7, v3;
	v4 =	vand.u32 $0xFFFFFFC0, v4  }
0xb6: {  	v3 =	vor.u32 v3, v4  }
0xb7: {  	v4 =	vperm.xlane v3, v0;
	_ =	sdelay $0x1  }
0xb8: {  	v4 =	vadd.s32 v1, v4;
	_ =	sdelay $0x4  }
0xb9: {  	[tilespmem:s18], [sflag:$0x1] =	stream.indirect_vreg.gather [hbm4b:s3+s31], $0x80, v4, vm0, $0xb8;
	[tilespmem:$0x10180] =	vst v63  }
0xba: {  	v3 =	vperm.xlane v3, v2  }
0xbb: {  	[tilespmem:s21], [sflag:$0x1] =	stream.indirect_vreg.gather [hbm4b:s7+s31], $0x80, v4, vm0, $0xb8;
	[tilespmem:$0x10180] =	vst v63  }
0xbc: {  	s0 =	simm.s32 $0x1180;
	v3 =	vadd.s32 v1, v3  }
0xbd: {  	[tilespmem:s0], [sflag:$0x1] =	stream.indirect_vreg.gather [hbm4b:s8+s31], $0x80, v4, vm0, $0xb8;
	[tilespmem:$0x10180] =	vst v63  }
0xbe: {  	s21 =	simm.s32 $0x1980  }
0xbf: {  	[tilespmem:s21], [sflag:$0x1] =	stream.indirect_vreg.gather [hbm4b:s10+s31], $0x80, v4, vm0, $0xb8;
	[tilespmem:$0x10180] =	vst v63  }
0xc0: {  	s1 =	simm.s32 $0x2180  }
0xc1: {  	[tilespmem:s1], [sflag:$0x1] =	stream.indirect_vreg.gather [hbm4b:s3+s31], $0x80, v3, vm0, $0xb8;
	[tilespmem:$0x10180] =	vst v63  }
0xc2: {  	s6 =	simm.s32 $0x2980  }
0xc3: {  	[tilespmem:s6], [sflag:$0x1] =	stream.indirect_vreg.gather [hbm4b:s7+s31], $0x80, v3, vm0, $0xb8;
	[tilespmem:$0x10180] =	vst v63  }
0xc4: {  	s16 =	simm.s32 $0x3180  }
0xc5: {  	[tilespmem:s16], [sflag:$0x1] =	stream.indirect_vreg.gather [hbm4b:s8+s31], $0x80, v3, vm0, $0xb8;
	[tilespmem:$0x10180] =	vst v63  }
0xc6: {  	s19 =	simm.s32 $0x3980  }
0xc7: {  	[tilespmem:s19], [sflag:$0x1] =	stream.indirect_vreg.gather [hbm4b:s10+s31], $0x80, v3, vm0, $0xb8;
	[tilespmem:$0x10180] =	vst v63  }
0xc8: {  	v3 =	vld [tilespmem:$0xA0];
	_ =	sdelay $0x4  }
0xc9: {  	v63 =	vshll.u32 v3, $0x3  }
0xca: {  	v3 =	vand.u32 $0x7, v3;
	v4 =	vand.u32 $0xFFFFFFC0, v63  }
0xcb: {  	v3 =	vor.u32 v3, v4  }
0xcc: {  	v4 =	vperm.xlane v3, v0;
	_ =	sdelay $0x1  }
0xcd: {  	v4 =	vadd.s32 v1, v4;
	_ =	sdelay $0x3  }
0xce: {  	s20 =	simm.s32 $0x8180  }
0xcf: {  	[tilespmem:s20], [sflag:$0x1] =	stream.indirect_vreg.gather [hbm4b:s3+s31], $0x80, v4, vm0, $0xb8;
	[tilespmem:$0x10180] =	vst v63  }
0xd0: {  	s21 =	simm.s32 $0x8980;
	v3 =	vperm.xlane v3, v2  }
0xd1: {  	[tilespmem:s21], [sflag:$0x1] =	stream.indirect_vreg.gather [hbm4b:s7+s31], $0x80, v4, vm0, $0xb8;
	[tilespmem:$0x10180] =	vst v63  }
0xd2: {  	s1 =	simm.s32 $0x9180;
	v3 =	vadd.s32 v1, v3  }
0xd3: {  	[tilespmem:s1], [sflag:$0x1] =	stream.indirect_vreg.gather [hbm4b:s8+s31], $0x80, v4, vm0, $0xb8;
	[tilespmem:$0x10180] =	vst v63  }
0xd4: {  	s6 =	simm.s32 $0x9980  }
0xd5: {  	[tilespmem:s6], [sflag:$0x1] =	stream.indirect_vreg.gather [hbm4b:s10+s31], $0x80, v4, vm0, $0xb8;
	[tilespmem:$0x10180] =	vst v63  }
0xd6: {  	s16 =	simm.s32 $0xA180  }
0xd7: {  	[tilespmem:s16], [sflag:$0x1] =	stream.indirect_vreg.gather [hbm4b:s3+s31], $0x80, v3, vm0, $0xb8;
	[tilespmem:$0x10180] =	vst v63  }
0xd8: {  	s19 =	simm.s32 $0xA980  }
0xd9: {  	[tilespmem:s19], [sflag:$0x1] =	stream.indirect_vreg.gather [hbm4b:s7+s31], $0x80, v3, vm0, $0xb8;
	[tilespmem:$0x10180] =	vst v63  }
0xda: {  	s20 =	simm.s32 $0xB180  }
0xdb: {  	[tilespmem:s20], [sflag:$0x1] =	stream.indirect_vreg.gather [hbm4b:s8+s31], $0x80, v3, vm0, $0xb8;
	[tilespmem:$0x10180] =	vst v63  }
0xdc: {  	s0 =	simm.s32 $0x0;
	s21 =	simm.s32 $0xB980  }
0xdd: {  	[tilespmem:s21], [sflag:$0x1] =	stream.indirect_vreg.gather [hbm4b:s10+s31], $0x80, v3, vm0, $0xb8;
	[tilespmem:$0x10180] =	vst v63  }
.LBB2_6:
0xde: {  	s1 =	sshll.u32 s0, $0x1;
	s16 =	sshll.u32 s0, $0xA  }
0xdf: {  	s19 =	sshll.u32 s0, $0x7;
	s6 =	sor.u32 $0x20, s1;
	s1 =	sor.u32 $0x21, s1  }
0xe0: {  	v3 =	vmov s6;
	v4 =	vmov s1;
	s1 =	sand.u32 $0x2000, s16;
	s6 =	sand.u32 $0x380, s19  }
0xe1: {  	s20 =	sand.u32 $0x40, s31;
	s1 =	sor.u32 s1, s6  }
0xe2: {  	s16 =	sand.u32 $0x1C00, s31;
	s6 =	sor.u32 s20, s1  }
0xe3: {  	s16 =	sor.u32 s16, s6  }
0xe4: {  	v3 =	vbroadcast v3, $0x0;
	v5 =	vld [tilespmem:s16+$0xC180]  }
0xe5: {  	v7 =	vld [tilespmem:s16+$0xC190]  }
0xe6: {  	v8 =	vld [tilespmem:s16+$0xC1A0]  }
0xe7: {  	v6 =	vld [tilespmem:s16+$0x4180]  }
0xe8: {  	v9 =	vld [tilespmem:s16+$0xC1B0]  }
0xe9: {  	v4 =	vld.idx.msk [tilespmem:v4+s17+$0x0], $0xffff  }
0xea: {  	v3 =	vld.idx.msk [tilespmem:v3+s17+$0x0], $0xffff  }
0xeb: {  	v10 =	vld [tilespmem:s16+$0x4190]  }
0xec: {  	s21 =	simm.s32 $0x40;
	v11 =	vld [tilespmem:s16+$0x41A0]  }
0xed: {  	s19 =	simm.s32 $0x200;
	s6 =	sand.u32 $0x40, s21;
	v12 =	vld [tilespmem:s16+$0x41B0]  }
0xee: {  	s20 =	sand.u32 $0x1C00, s19;
	s6 =	sor.u32 s6, s1  }
0xef: {  	s6 =	sor.u32 s20, s6;
	v14 =	vmul.f32 v5, v4;
	v13 =	vmul.f32 v6, v3  }
0xf0: {  	v5 =	vld [tilespmem:s6+$0xC190];
	v15 =	vmul.f32 v7, v4;
	v10 =	vmul.f32 v10, v3  }
0xf1: {  	v7 =	vld [tilespmem:s6+$0xC1A0];
	v63 =	vmul.f32 v8, v4;
	v11 =	vmul.f32 v11, v3;
	v13 =	vadd.f32 v14, v13  }
0xf2: {  	v8 =	vld [tilespmem:s6+$0xC1B0];
	v16 =	vmul.f32 v9, v4;
	v12 =	vmul.f32 v12, v3;
	v15 =	vadd.f32 v15, v10  }
0xf3: {  	v6 =	vld [tilespmem:s6+$0xC180];
	v10 =	vadd.f32 v63, v11;
	[tilespmem:s16+$0x4180] =	vst v13  }
0xf4: {  	s20 =	simm.s32 $0x80;
	v11 =	vadd.f32 v16, v12;
	v9 =	vld [tilespmem:s6+$0x4180];
	[tilespmem:s16+$0x4190] =	vst v15  }
.LBB2_7:
0xf5: {  	p0 =	sne.s32 s20, $0x3C0;
	v12 =	vld [tilespmem:s6+$0x4190];
	[tilespmem:s16+$0x41A0] =	vst v10  }
0xf6: {  	v10 =	vld [tilespmem:s6+$0x41A0];
	[tilespmem:s16+$0x41B0] =	vst v11;
	s16 =	smov.u32 s6  }
0xf7: {  	s19 =	sadd.s32 $0x200, s19;
	s6 =	sand.u32 $0x40, s20;
	v11 =	vld [tilespmem:s16+$0x41B0]  }
0xf8: {  	s21 =	sand.u32 $0x1C00, s19;
	s6 =	sor.u32 s6, s1  }
0xf9: {  	v13 =	vmul.f32 v6, v4;
	s6 =	sor.u32 s21, s6;
	v9 =	vmul.f32 v9, v3  }
.Ltmp2:
0xfa: {  	v14 =	vmul.f32 v5, v4;
	v6 =	vld [tilespmem:s6+$0xC180];
	v12 =	vmul.f32 v12, v3;
	(pc) =	sbr.rel @p0 .LBB2_7-.Ltmp2, $4  }
0xfb: {  	v5 =	vld [tilespmem:s6+$0xC190];
	v9 =	vadd.f32 v13, v9;
	v10 =	vmul.f32 v10, v3;
	v13 =	vmul.f32 v7, v4  }
0xfc: {  	v7 =	vld [tilespmem:s6+$0xC1A0];
	v12 =	vadd.f32 v14, v12;
	v11 =	vmul.f32 v11, v3;
	v14 =	vmul.f32 v8, v4  }
0xfd: {  	v8 =	vld [tilespmem:s6+$0xC1B0];
	[tilespmem:s16+$0x4180] =	vst v9;
	v10 =	vadd.f32 v13, v10  }
0xfe: {  	s20 =	sadd.s32 $0x40, s20;
	v9 =	vld [tilespmem:s6+$0x4180];
	[tilespmem:s16+$0x4190] =	vst v12;
	v11 =	vadd.f32 v14, v11  }
0xff: {  	v12 =	vld [tilespmem:s6+$0x4190];
	[tilespmem:s16+$0x41A0] =	vst v10  }
0x100: {  	v10 =	vld [tilespmem:s6+$0x41A0];
	[tilespmem:s16+$0x41B0] =	vst v11  }
0x101: {  	v11 =	vld [tilespmem:s6+$0x41B0];
	_ =	sdelay $0x1  }
0x102: {  	v6 =	vmul.f32 v6, v4;
	v9 =	vmul.f32 v9, v3  }
0x103: {  	s0 =	sadd.s32 $0x1, s0;
	v5 =	vmul.f32 v5, v4;
	v12 =	vmul.f32 v12, v3  }
0x104: {  	p0 =	sne.s32 s0, $0x10;
	v7 =	vmul.f32 v7, v4;
	v6 =	vadd.f32 v6, v9;
	v61 =	vmul.f32 v10, v3  }
.Ltmp3:
0x105: {  	v62 =	vmul.f32 v8, v4;
	v5 =	vadd.f32 v5, v12;
	v3 =	vmul.f32 v11, v3;
	(pc) =	sbr.rel @p0 .LBB2_6-.Ltmp3, $4  }
0x106: {  	[tilespmem:s6+$0x4180] =	vst v6;
	v63 =	vadd.f32 v7, v61  }
0x107: {  	[tilespmem:s6+$0x4190] =	vst v5;
	v3 =	vadd.f32 v62, v3  }
0x108: {  	[tilespmem:s6+$0x41A0] =	vst v63  }
0x109: {  	[tilespmem:s6+$0x41B0] =	vst v3  }
0x10a: {  	s31 =	simm.s32 $0x0;
	s0 =	rddreg [dreg:$0x6]  }
0x10b: {  	[hbm4b:s0+s31] =	stream.linear.scatter [tilespmem:s5], [sflag:$0x2], $0x4000, $0x38;
	[tilespmem:$0x10180] =	vst v63  }
0x10c: {  	_ =	swait.ge [sflag:s15], $0x4000  }
0x10d: {  	[sflag:s15] =	ssyncset.done $0x0  }
0x10e: {  	[sflag:s15] =	ssyncadd.s32 $0xFFFFC000  }
0x10f: {  	_ =	swait.ge [sflag:s4], $0x4000  }
0x110: {  	[sflag:s4] =	ssyncset.done $0x0  }
0x111: {  	[sflag:s4] =	ssyncadd.s32 $0xFFFFC000  }
0x112: {  	_ =	swait.ge [sflag:s4], $0x4000  }
0x113: {  	[sflag:s4] =	ssyncset.done $0x0  }
0x114: {  	[sflag:s4] =	ssyncadd.s32 $0xFFFFC000  }
0x115: {  	v3 =	vld [tilespmem:$0x30];
	_ =	sdelay $0x4  }
0x116: {  	v4 =	vshll.u32 v3, $0x3  }
0x117: {  	v3 =	vand.u32 $0x7, v3;
	v4 =	vand.u32 $0xFFFFFFC0, v4  }
0x118: {  	v3 =	vor.u32 v3, v4  }
0x119: {  	v4 =	vperm.xlane v3, v0;
	_ =	sdelay $0x1  }
0x11a: {  	v4 =	vadd.s32 v1, v4;
	_ =	sdelay $0x4  }
0x11b: {  	[tilespmem:s5], [sflag:$0x1] =	stream.indirect_vreg.gather [hbm4b:s3+s31], $0x80, v4, vm0, $0xb8;
	[tilespmem:$0x10180] =	vst v63  }
0x11c: {  	s16 =	simm.s32 $0x4980;
	v3 =	vperm.xlane v3, v2  }
0x11d: {  	[tilespmem:s16], [sflag:$0x1] =	stream.indirect_vreg.gather [hbm4b:s7+s31], $0x80, v4, vm0, $0xb8;
	[tilespmem:$0x10180] =	vst v63  }
0x11e: {  	s19 =	simm.s32 $0x5180;
	v3 =	vadd.s32 v1, v3  }
0x11f: {  	[tilespmem:s19], [sflag:$0x1] =	stream.indirect_vreg.gather [hbm4b:s8+s31], $0x80, v4, vm0, $0xb8;
	[tilespmem:$0x10180] =	vst v63  }
0x120: {  	s20 =	simm.s32 $0x5980  }
0x121: {  	[tilespmem:s20], [sflag:$0x1] =	stream.indirect_vreg.gather [hbm4b:s10+s31], $0x80, v4, vm0, $0xb8;
	[tilespmem:$0x10180] =	vst v63  }
0x122: {  	s21 =	simm.s32 $0x6180  }
0x123: {  	[tilespmem:s21], [sflag:$0x1] =	stream.indirect_vreg.gather [hbm4b:s3+s31], $0x80, v3, vm0, $0xb8;
	[tilespmem:$0x10180] =	vst v63  }
0x124: {  	_ = 	snop  }
0x125: {  	[tilespmem:s22], [sflag:$0x1] =	stream.indirect_vreg.gather [hbm4b:s7+s31], $0x80, v3, vm0, $0xb8;
	[tilespmem:$0x10180] =	vst v63  }
0x126: {  	_ = 	snop  }
0x127: {  	[tilespmem:s11], [sflag:$0x1] =	stream.indirect_vreg.gather [hbm4b:s8+s31], $0x80, v3, vm0, $0xb8;
	[tilespmem:$0x10180] =	vst v63  }
0x128: {  	_ = 	snop  }
0x129: {  	[tilespmem:s23], [sflag:$0x1] =	stream.indirect_vreg.gather [hbm4b:s10+s31], $0x80, v3, vm0, $0xb8;
	[tilespmem:$0x10180] =	vst v63  }
0x12a: {  	v3 =	vld [tilespmem:$0xB0];
	_ =	sdelay $0x4  }
0x12b: {  	v63 =	vshll.u32 v3, $0x3  }
0x12c: {  	v3 =	vand.u32 $0x7, v3;
	v4 =	vand.u32 $0xFFFFFFC0, v63  }
0x12d: {  	v3 =	vor.u32 v3, v4  }
0x12e: {  	v4 =	vperm.xlane v3, v0;
	_ =	sdelay $0x1  }
0x12f: {  	v4 =	vadd.s32 v1, v4;
	_ =	sdelay $0x4  }
0x130: {  	[tilespmem:s12], [sflag:$0x1] =	stream.indirect_vreg.gather [hbm4b:s3+s31], $0x80, v4, vm0, $0xb8;
	[tilespmem:$0x10180] =	vst v63  }
0x131: {  	v3 =	vperm.xlane v3, v2  }
0x132: {  	[tilespmem:s24], [sflag:$0x1] =	stream.indirect_vreg.gather [hbm4b:s7+s31], $0x80, v4, vm0, $0xb8;
	[tilespmem:$0x10180] =	vst v63  }
0x133: {  	v3 =	vadd.s32 v1, v3  }
0x134: {  	[tilespmem:s13], [sflag:$0x1] =	stream.indirect_vreg.gather [hbm4b:s8+s31], $0x80, v4, vm0, $0xb8;
	[tilespmem:$0x10180] =	vst v63  }
0x135: {  	_ = 	snop  }
0x136: {  	[tilespmem:s25], [sflag:$0x1] =	stream.indirect_vreg.gather [hbm4b:s10+s31], $0x80, v4, vm0, $0xb8;
	[tilespmem:$0x10180] =	vst v63  }
0x137: {  	_ = 	snop  }
0x138: {  	[tilespmem:s14], [sflag:$0x1] =	stream.indirect_vreg.gather [hbm4b:s3+s31], $0x80, v3, vm0, $0xb8;
	[tilespmem:$0x10180] =	vst v63  }
0x139: {  	_ = 	snop  }
0x13a: {  	[tilespmem:s26], [sflag:$0x1] =	stream.indirect_vreg.gather [hbm4b:s7+s31], $0x80, v3, vm0, $0xb8;
	[tilespmem:$0x10180] =	vst v63  }
0x13b: {  	_ = 	snop  }
0x13c: {  	[tilespmem:s28], [sflag:$0x1] =	stream.indirect_vreg.gather [hbm4b:s8+s31], $0x80, v3, vm0, $0xb8;
	[tilespmem:$0x10180] =	vst v63  }
0x13d: {  	s0 =	simm.s32 $0x0  }
0x13e: {  	[tilespmem:s29], [sflag:$0x1] =	stream.indirect_vreg.gather [hbm4b:s10+s31], $0x80, v3, vm0, $0xb8;
	[tilespmem:$0x10180] =	vst v63  }
.LBB2_10:
0x13f: {  	s1 =	sshll.u32 s0, $0x1;
	s16 =	sshll.u32 s0, $0xA  }
0x140: {  	s19 =	sshll.u32 s0, $0x7;
	s6 =	sor.u32 $0x40, s1;
	s1 =	sor.u32 $0x41, s1  }
0x141: {  	v3 =	vmov s6;
	v4 =	vmov s1;
	s1 =	sand.u32 $0x2000, s16;
	s6 =	sand.u32 $0x380, s19  }
0x142: {  	s20 =	sand.u32 $0x40, s31;
	s1 =	sor.u32 s1, s6  }
0x143: {  	s16 =	sand.u32 $0x1C00, s31;
	s6 =	sor.u32 s20, s1  }
0x144: {  	s16 =	sor.u32 s16, s6  }
0x145: {  	v3 =	vbroadcast v3, $0x0;
	v5 =	vld [tilespmem:s16+$0x8180]  }
0x146: {  	v7 =	vld [tilespmem:s16+$0x8190]  }
0x147: {  	v8 =	vld [tilespmem:s16+$0x81A0]  }
0x148: {  	v6 =	vld [tilespmem:s16+$0x180]  }
0x149: {  	v9 =	vld [tilespmem:s16+$0x81B0]  }
0x14a: {  	v4 =	vld.idx.msk [tilespmem:v4+s17+$0x0], $0xffff  }
0x14b: {  	v3 =	vld.idx.msk [tilespmem:v3+s17+$0x0], $0xffff  }
0x14c: {  	v10 =	vld [tilespmem:s16+$0x190]  }
0x14d: {  	s21 =	simm.s32 $0x40;
	v11 =	vld [tilespmem:s16+$0x1A0]  }
0x14e: {  	s19 =	simm.s32 $0x200;
	s6 =	sand.u32 $0x40, s21;
	v12 =	vld [tilespmem:s16+$0x1B0]  }
0x14f: {  	s20 =	sand.u32 $0x1C00, s19;
	s6 =	sor.u32 s6, s1  }
0x150: {  	s6 =	sor.u32 s20, s6;
	v14 =	vmul.f32 v5, v4;
	v13 =	vmul.f32 v6, v3  }
0x151: {  	v5 =	vld [tilespmem:s6+$0x8190];
	v15 =	vmul.f32 v7, v4;
	v10 =	vmul.f32 v10, v3  }
0x152: {  	v7 =	vld [tilespmem:s6+$0x81A0];
	v63 =	vmul.f32 v8, v4;
	v11 =	vmul.f32 v11, v3;
	v13 =	vadd.f32 v14, v13  }
0x153: {  	v8 =	vld [tilespmem:s6+$0x81B0];
	v16 =	vmul.f32 v9, v4;
	v12 =	vmul.f32 v12, v3;
	v15 =	vadd.f32 v15, v10  }
0x154: {  	v6 =	vld [tilespmem:s6+$0x8180];
	v10 =	vadd.f32 v63, v11;
	[tilespmem:s16+$0x180] =	vst v13  }
0x155: {  	s20 =	simm.s32 $0x80;
	v11 =	vadd.f32 v16, v12;
	v9 =	vld [tilespmem:s6+$0x180];
	[tilespmem:s16+$0x190] =	vst v15  }
.LBB2_11:
0x156: {  	p0 =	sne.s32 s20, $0x3C0;
	v12 =	vld [tilespmem:s6+$0x190];
	[tilespmem:s16+$0x1A0] =	vst v10  }
0x157: {  	v10 =	vld [tilespmem:s6+$0x1A0];
	[tilespmem:s16+$0x1B0] =	vst v11;
	s16 =	smov.u32 s6  }
0x158: {  	s19 =	sadd.s32 $0x200, s19;
	s6 =	sand.u32 $0x40, s20;
	v11 =	vld [tilespmem:s16+$0x1B0]  }
0x159: {  	s21 =	sand.u32 $0x1C00, s19;
	s6 =	sor.u32 s6, s1  }
0x15a: {  	v13 =	vmul.f32 v6, v4;
	s6 =	sor.u32 s21, s6;
	v9 =	vmul.f32 v9, v3  }
.Ltmp4:
0x15b: {  	v14 =	vmul.f32 v5, v4;
	v6 =	vld [tilespmem:s6+$0x8180];
	v12 =	vmul.f32 v12, v3;
	(pc) =	sbr.rel @p0 .LBB2_11-.Ltmp4, $4  }
0x15c: {  	v5 =	vld [tilespmem:s6+$0x8190];
	v9 =	vadd.f32 v13, v9;
	v10 =	vmul.f32 v10, v3;
	v13 =	vmul.f32 v7, v4  }
0x15d: {  	v7 =	vld [tilespmem:s6+$0x81A0];
	v12 =	vadd.f32 v14, v12;
	v11 =	vmul.f32 v11, v3;
	v14 =	vmul.f32 v8, v4  }
0x15e: {  	v8 =	vld [tilespmem:s6+$0x81B0];
	[tilespmem:s16+$0x180] =	vst v9;
	v10 =	vadd.f32 v13, v10  }
0x15f: {  	s20 =	sadd.s32 $0x40, s20;
	v9 =	vld [tilespmem:s6+$0x180];
	[tilespmem:s16+$0x190] =	vst v12;
	v11 =	vadd.f32 v14, v11  }
0x160: {  	v12 =	vld [tilespmem:s6+$0x190];
	[tilespmem:s16+$0x1A0] =	vst v10  }
0x161: {  	v10 =	vld [tilespmem:s6+$0x1A0];
	[tilespmem:s16+$0x1B0] =	vst v11  }
0x162: {  	v11 =	vld [tilespmem:s6+$0x1B0];
	_ =	sdelay $0x1  }
0x163: {  	v6 =	vmul.f32 v6, v4;
	v9 =	vmul.f32 v9, v3  }
0x164: {  	s0 =	sadd.s32 $0x1, s0;
	v5 =	vmul.f32 v5, v4;
	v12 =	vmul.f32 v12, v3  }
0x165: {  	p0 =	sne.s32 s0, $0x10;
	v7 =	vmul.f32 v7, v4;
	v6 =	vadd.f32 v6, v9;
	v61 =	vmul.f32 v10, v3  }
.Ltmp5:
0x166: {  	v62 =	vmul.f32 v8, v4;
	v5 =	vadd.f32 v5, v12;
	v3 =	vmul.f32 v11, v3;
	(pc) =	sbr.rel @p0 .LBB2_10-.Ltmp5, $4  }
0x167: {  	[tilespmem:s6+$0x180] =	vst v6;
	v63 =	vadd.f32 v7, v61  }
0x168: {  	[tilespmem:s6+$0x190] =	vst v5;
	v3 =	vadd.f32 v62, v3  }
0x169: {  	[tilespmem:s6+$0x1A0] =	vst v63  }
0x16a: {  	[tilespmem:s6+$0x1B0] =	vst v3  }
0x16b: {  	s31 =	simm.s32 $0x0;
	s0 =	rddreg [dreg:$0x7]  }
0x16c: {  	[hbm4b:s0+s31] =	stream.linear.scatter [tilespmem:s18], [sflag:$0x2], $0x4000, $0x38;
	[tilespmem:$0x10180] =	vst v63  }
0x16d: {  	_ =	swait.ge [sflag:s15], $0x4000  }
0x16e: {  	[sflag:s15] =	ssyncset.done $0x0  }
0x16f: {  	[sflag:s15] =	ssyncadd.s32 $0xFFFFC000  }
0x170: {  	_ =	swait.ge [sflag:s4], $0x4000  }
0x171: {  	[sflag:s4] =	ssyncset.done $0x0  }
0x172: {  	[sflag:s4] =	ssyncadd.s32 $0xFFFFC000  }
0x173: {  	_ =	swait.ge [sflag:s4], $0x4000  }
0x174: {  	[sflag:s4] =	ssyncset.done $0x0  }
0x175: {  	s0 =	simm.s32 $0x0;
	[sflag:s4] =	ssyncadd.s32 $0xFFFFC000  }
.LBB2_14:
0x176: {  	s1 =	sshll.u32 s0, $0x1;
	s16 =	sshll.u32 s0, $0xA  }
0x177: {  	s19 =	sshll.u32 s0, $0x7;
	s6 =	sor.u32 $0x60, s1;
	s1 =	sor.u32 $0x61, s1  }
0x178: {  	v3 =	vmov s6;
	v4 =	vmov s1;
	s1 =	sand.u32 $0x2000, s16;
	s6 =	sand.u32 $0x380, s19  }
0x179: {  	s20 =	sand.u32 $0x40, s31;
	s1 =	sor.u32 s1, s6  }
0x17a: {  	s16 =	sand.u32 $0x1C00, s31;
	s6 =	sor.u32 s20, s1  }
0x17b: {  	s16 =	sor.u32 s16, s6  }
0x17c: {  	v3 =	vbroadcast v3, $0x0;
	v5 =	vld [tilespmem:s16+$0xC180]  }
0x17d: {  	v7 =	vld [tilespmem:s16+$0xC190]  }
0x17e: {  	v8 =	vld [tilespmem:s16+$0xC1A0]  }
0x17f: {  	v6 =	vld [tilespmem:s16+$0x4180]  }
0x180: {  	v9 =	vld [tilespmem:s16+$0xC1B0]  }
0x181: {  	v4 =	vld.idx.msk [tilespmem:v4+s17+$0x0], $0xffff  }
0x182: {  	v3 =	vld.idx.msk [tilespmem:v3+s17+$0x0], $0xffff  }
0x183: {  	v10 =	vld [tilespmem:s16+$0x4190]  }
0x184: {  	s21 =	simm.s32 $0x40;
	v11 =	vld [tilespmem:s16+$0x41A0]  }
0x185: {  	s19 =	simm.s32 $0x200;
	s6 =	sand.u32 $0x40, s21;
	v12 =	vld [tilespmem:s16+$0x41B0]  }
0x186: {  	s20 =	sand.u32 $0x1C00, s19;
	s6 =	sor.u32 s6, s1  }
0x187: {  	s6 =	sor.u32 s20, s6;
	v14 =	vmul.f32 v5, v4;
	v13 =	vmul.f32 v6, v3  }
0x188: {  	v5 =	vld [tilespmem:s6+$0xC190];
	v15 =	vmul.f32 v7, v4;
	v10 =	vmul.f32 v10, v3  }
0x189: {  	v7 =	vld [tilespmem:s6+$0xC1A0];
	v63 =	vmul.f32 v8, v4;
	v11 =	vmul.f32 v11, v3;
	v13 =	vadd.f32 v14, v13  }
0x18a: {  	v8 =	vld [tilespmem:s6+$0xC1B0];
	v16 =	vmul.f32 v9, v4;
	v12 =	vmul.f32 v12, v3;
	v15 =	vadd.f32 v15, v10  }
0x18b: {  	v6 =	vld [tilespmem:s6+$0xC180];
	v10 =	vadd.f32 v63, v11;
	[tilespmem:s16+$0x4180] =	vst v13  }
0x18c: {  	s20 =	simm.s32 $0x80;
	v11 =	vadd.f32 v16, v12;
	v9 =	vld [tilespmem:s6+$0x4180];
	[tilespmem:s16+$0x4190] =	vst v15  }
.LBB2_15:
0x18d: {  	p0 =	sne.s32 s20, $0x3C0;
	v12 =	vld [tilespmem:s6+$0x4190];
	[tilespmem:s16+$0x41A0] =	vst v10  }
0x18e: {  	v10 =	vld [tilespmem:s6+$0x41A0];
	[tilespmem:s16+$0x41B0] =	vst v11;
	s16 =	smov.u32 s6  }
0x18f: {  	s19 =	sadd.s32 $0x200, s19;
	s6 =	sand.u32 $0x40, s20;
	v11 =	vld [tilespmem:s16+$0x41B0]  }
0x190: {  	s21 =	sand.u32 $0x1C00, s19;
	s6 =	sor.u32 s6, s1  }
0x191: {  	v13 =	vmul.f32 v6, v4;
	s6 =	sor.u32 s21, s6;
	v9 =	vmul.f32 v9, v3  }
.Ltmp6:
0x192: {  	v14 =	vmul.f32 v5, v4;
	v6 =	vld [tilespmem:s6+$0xC180];
	v12 =	vmul.f32 v12, v3;
	(pc) =	sbr.rel @p0 .LBB2_15-.Ltmp6, $4  }
0x193: {  	v5 =	vld [tilespmem:s6+$0xC190];
	v9 =	vadd.f32 v13, v9;
	v10 =	vmul.f32 v10, v3;
	v13 =	vmul.f32 v7, v4  }
0x194: {  	v7 =	vld [tilespmem:s6+$0xC1A0];
	v12 =	vadd.f32 v14, v12;
	v11 =	vmul.f32 v11, v3;
	v14 =	vmul.f32 v8, v4  }
0x195: {  	v8 =	vld [tilespmem:s6+$0xC1B0];
	[tilespmem:s16+$0x4180] =	vst v9;
	v10 =	vadd.f32 v13, v10  }
0x196: {  	s20 =	sadd.s32 $0x40, s20;
	v9 =	vld [tilespmem:s6+$0x4180];
	[tilespmem:s16+$0x4190] =	vst v12;
	v11 =	vadd.f32 v14, v11  }
0x197: {  	v12 =	vld [tilespmem:s6+$0x4190];
	[tilespmem:s16+$0x41A0] =	vst v10  }
0x198: {  	v10 =	vld [tilespmem:s6+$0x41A0];
	[tilespmem:s16+$0x41B0] =	vst v11  }
0x199: {  	v11 =	vld [tilespmem:s6+$0x41B0];
	_ =	sdelay $0x1  }
0x19a: {  	v6 =	vmul.f32 v6, v4;
	v9 =	vmul.f32 v9, v3  }
0x19b: {  	s0 =	sadd.s32 $0x1, s0;
	v5 =	vmul.f32 v5, v4;
	v12 =	vmul.f32 v12, v3  }
0x19c: {  	p0 =	sne.s32 s0, $0x10;
	v7 =	vmul.f32 v7, v4;
	v6 =	vadd.f32 v6, v9;
	v61 =	vmul.f32 v10, v3  }
.Ltmp7:
0x19d: {  	v62 =	vmul.f32 v8, v4;
	v5 =	vadd.f32 v5, v12;
	v3 =	vmul.f32 v11, v3;
	(pc) =	sbr.rel @p0 .LBB2_14-.Ltmp7, $4  }
0x19e: {  	[tilespmem:s6+$0x4180] =	vst v6;
	v63 =	vadd.f32 v7, v61  }
0x19f: {  	[tilespmem:s6+$0x4190] =	vst v5;
	v3 =	vadd.f32 v62, v3  }
0x1a0: {  	[tilespmem:s6+$0x41A0] =	vst v63  }
0x1a1: {  	[tilespmem:s6+$0x41B0] =	vst v3  }
0x1a2: {  	s0 =	rddreg [dreg:$0x8]  }
0x1a3: {  	[hbm4b:s0+s2] =	stream.linear.scatter [tilespmem:s5], [sflag:$0x2], $0x4000, $0x38;
	[tilespmem:$0x10180] =	vst v63  }
0x1a4: {  	_ =	swait.ge [sflag:s15], $0x4000  }
0x1a5: {  	s30 =	sadd.s32 $0x1, s30;
	s31 =	rddreg [dreg:$0x9]  }
0x1a6: {  	p0 =	sne.s32 s30, s31  }
.Ltmp8:
0x1a7: {  	_ = 	snop;
	(pc) =	sbr.rel @p0 .LBB2_1-.Ltmp8, $3  }
0x1a8: {  	_ =	sdelay $0x1  }
0x1a9: {  	[sflag:s15] =	ssyncset.done $0x0  }
0x1aa: {  	s21 =	simm.s32 $0x980;
	[sflag:s15] =	ssyncadd.s32 $0xFFFFC000  }
0x1ab: {  	_ =	sfence.sel $0x180000  }
0x1ac: {  	[bflag:$0x0] =	sbarrier.arrive $0xFFFF  }
0x1ad: {  	_ =	strace $0x9000004A  }
0x1ae: {  	s0 =	stileid.u32;
	[bflag:$0x2] =	sbarrier.arrive $0xFFFF  }
0x1af: {  	p0 =	sne.s32 s0, $0x0;
	s0 =	rddreg [dreg:$0x2]  }
0x1b0: {  	s0 =	sadd.s32 @!p0 $0x100000, s0  }
0x1b1: {  	[sflag:s0] =	ssyncadd.tile.s32 @!p0 $0x1;
	_ =	shalt  }
.Lfunc_end2:
_tile_overlayer_lowered:
.L_overlay_start_2:
0x1b2: {  	(tag) =	ssettag $0x2  }
0x1b3: {  	s0 =	rddreg [dreg:$0x0];
	s2 =	stileid.u32  }
0x1b4: {  	s1 =	rddreg [dreg:$0x1];
	p0 =	sne.s32 s2, $0x0  }
0x1b5: {  	s3 =	rddreg [dreg:$0x2];
	[bflag:$0x3] =	sbarrier.arrive $0xFFFF;
	s2 =	simm.s32 @!p0 $0x1C02  }
0x1b6: {  	[timem:s3], [sflag:s2] =	dma.local @!p0 [hbm:s0], s1  }
0x1b7: {  	s0 =	simm.s32 @!p0 $0x2  }
0x1b8: {  	_ =	swait.ge @!p0 [sflag:s0], s1  }
0x1b9: {  	s1 =	ssub.s32 @!p0 $0x0, s1;
	[sflag:s0] =	ssyncset.done @!p0 $0x0  }
0x1ba: {  	[sflag:s0] =	ssyncadd.s32 @!p0 s1  }
0x1bb: {  	[bflag:$0x3] =	sbarrier.arrive $0xFFFF  }
0x1bc: {  	_ =	shalt  }

</sc_bundles>
